<compile_context>
chip_gen: v7x
topology: tpu7x:2x2x1
jax: 0.10.2.dev20260603
libtpu: 0.0.44.dev20260713+nightly
codegen_flags: <defaults>
</compile_context>

<pallas_src>
import functools

import jax
import jax.numpy as jnp
from jax import lax
from jax.experimental import pallas as pl
from jax.experimental.pallas import tpu as pltpu
from jax.experimental.pallas import tpu_sc as plsc

N_NODES = 10000
N_EDGES = 320000
L = 16
NS = 16
N_PAD = 10240
SLICE = N_PAD // NS
VPS = SLICE // L
E_PER_T = N_EDGES // NS

def _newton_rsqrt(x):
    i = lax.bitcast_convert_type(x, jnp.int32)
    i = jnp.int32(0x5F3759DF) - lax.shift_right_logical(i, 1)
    y = lax.bitcast_convert_type(i, jnp.float32)
    for _ in range(3):
        y = y * (1.5 - 0.5 * x * y * y)
    return y


E_WIN = 20480
E_STEP = 19968


def _sc_fused_body(edge_hbm, tpart_hbm, dinv_hbm, echunk_v, hist_v, t_v,
                   dinv_v, red_v, sl_v, shared, shared2, sem):
    cid = lax.axis_index("c")
    sid = lax.axis_index("s")

    @pl.when(cid == 0)
    def _():
        wbase = pl.multiple_of(sid * E_STEP, 512)
        off = sid * 32
        nbase = sid * SLICE
        ce = pltpu.async_copy(edge_hbm.at[:, pl.ds(wbase, E_WIN)], echunk_v,
                              sem)

        zeros = jnp.zeros((L,), jnp.float32)
        ones = jnp.ones((L,), jnp.float32)

        @plsc.parallel_loop(0, N_PAD // L, unroll=16)
        def _(i):
            hist_v[pl.ds(i * L, L)] = zeros
            t_v[pl.ds(i * L, L)] = zeros

        ce.wait()

        @plsc.parallel_loop(0, E_PER_T // L, unroll=10)
        def _(i):
            idx = echunk_v[1, pl.ds(off + i * L, L)]
            plsc.addupdate_scatter(hist_v, [idx], ones)

        pltpu.sync_copy(hist_v, shared.at[sid])
        plsc.subcore_barrier()

        pltpu.sync_copy(shared.at[:, pl.ds(nbase, SLICE)], red_v)

        @plsc.parallel_loop(0, VPS, unroll=4)
        def _(j):
            acc = red_v[0, pl.ds(j * L, L)]
            for k in range(1, NS):
                acc = acc + red_v[k, pl.ds(j * L, L)]
            sl_v[pl.ds(j * L, L)] = _newton_rsqrt(acc + 1.0)

        @pl.when(sid == NS - 1)
        def _():
            for jj in range((N_NODES - (NS - 1) * SLICE) // L, VPS):
                sl_v[pl.ds(jj * L, L)] = zeros

        pltpu.sync_copy(sl_v, shared2.at[pl.ds(nbase, SLICE)])
        pltpu.sync_copy(sl_v, dinv_hbm.at[pl.ds(nbase, SLICE)])
        plsc.subcore_barrier()

        pltpu.sync_copy(shared2, dinv_v)

        @plsc.parallel_loop(0, E_PER_T // L, unroll=10)
        def _(i):
            si = echunk_v[0, pl.ds(off + i * L, L)]
            di = echunk_v[1, pl.ds(off + i * L, L)]
            dvals = plsc.load_gather(dinv_v, [di])
            plsc.addupdate_scatter(t_v, [si], dvals)

        pltpu.sync_copy(t_v, tpart_hbm.at[sid])


@functools.cache
def _build_sc_kernel():
    mesh = plsc.VectorSubcoreMesh(core_axis_name="c", subcore_axis_name="s")
    params = pltpu.CompilerParams(needs_layout_passes=False)
    return pl.kernel(
        _sc_fused_body,
        mesh=mesh,
        out_type=(
            jax.ShapeDtypeStruct((NS, N_PAD), jnp.float32),
            jax.ShapeDtypeStruct((N_PAD,), jnp.float32),
        ),
        scratch_types=[
            pltpu.VMEM((2, E_WIN), jnp.int32),
            pltpu.VMEM((N_PAD,), jnp.float32),
            pltpu.VMEM((N_PAD,), jnp.float32),
            pltpu.VMEM((N_PAD,), jnp.float32),
            pltpu.VMEM((NS, SLICE), jnp.float32),
            pltpu.VMEM((SLICE,), jnp.float32),
            pltpu.VMEM_SHARED((NS, N_PAD), jnp.float32),
            pltpu.VMEM_SHARED((N_PAD,), jnp.float32),
            pltpu.SemaphoreType.DMA,
        ],
        compiler_params=params,
    )


def _tc_final(tpart_ref, dinv_ref, x_ref, w_ref, b_ref, wd_ref, bd_ref,
              out_ref):
    t = jnp.sum(tpart_ref[...], axis=0, keepdims=True)
    dinv = dinv_ref[...]
    c = (dinv * (dinv + t))[:, :N_NODES]
    cx = lax.dot_general(c, x_ref[...], (((1,), (0,)), ((), ())),
                         preferred_element_type=jnp.float32)
    pooled = lax.dot_general(cx, w_ref[...], (((1,), (0,)), ((), ())),
                             preferred_element_type=jnp.float32)
    pooled = pooled + float(N_NODES) * b_ref[...]
    logits = lax.dot_general(pooled, wd_ref[...], (((1,), (0,)), ((), ())),
                             preferred_element_type=jnp.float32)
    logits = logits + bd_ref[...]
    m = jnp.max(logits, axis=1, keepdims=True)
    e = jnp.exp(logits - m)
    out_ref[...] = e / jnp.sum(e, axis=1, keepdims=True)


def kernel(x, edge_index, W, b, Wd, bd):
    sc_fused = _build_sc_kernel()
    if edge_index.dtype != jnp.int32:
        edge_index = edge_index.astype(jnp.int32)

    t_part, dinv = sc_fused(edge_index)

    out = pl.pallas_call(
        _tc_final,
        out_shape=jax.ShapeDtypeStruct((1, 10), jnp.float32),
    )(t_part, dinv.reshape(1, N_PAD), x, W, b.reshape(1, -1), Wd,
      bd.reshape(1, -1))
    return out.reshape(10)

# --- scband reference (transcript-rebuilt; emitter-appended) ---
"""Pipeline reference for scband-my-first-gnn-5660766896803 (READ-ONLY COPY).

The authoritative reference and input builder live on the scoring server;
editing this copy changes nothing except your own understanding.
"""

import jax, jax.numpy as jnp
import numpy as np

N_NODES = 10000
N_EDGES = 320000
D_FEAT = 128
N_HIDDEN = 128
N_LABELS = 10


def setup_inputs(seed: int = 0) -> dict:
    key = jax.random.key(seed)
    k_x, k_e, k_w, k_b, k_wd, k_bd = jax.random.split(key, 6)
    x = jax.random.normal(k_x, (N_NODES, D_FEAT), dtype=jnp.float32)
    edge_index = jax.random.randint(k_e, (2, N_EDGES), 0, N_NODES, dtype=jnp.int64)
    # GCNConv kernel/bias (glorot-ish init)
    W = jax.random.normal(k_w, (D_FEAT, N_HIDDEN), dtype=jnp.float32) * (1.0 / np.sqrt(D_FEAT))
    b = jnp.zeros((N_HIDDEN,), dtype=jnp.float32)
    # Dense softmax head
    Wd = jax.random.normal(k_wd, (N_HIDDEN, N_LABELS), dtype=jnp.float32) * (1.0 / np.sqrt(N_HIDDEN))
    bd = jnp.zeros((N_LABELS,), dtype=jnp.float32)
    return {"x": x, "edge_index": edge_index, "W": W, "b": b, "Wd": Wd, "bd": bd}


def reference(x, edge_index, W, b, Wd, bd):
    # GCNConv (spektral-style): out = D^{-1/2} (A + I) D^{-1/2} (x @ W) + b
    n = x.shape[0]
    src = edge_index[0]
    dst = edge_index[1]
    loop = jnp.arange(n, dtype=edge_index.dtype)
    src_f = jnp.concatenate([src, loop])
    dst_f = jnp.concatenate([dst, loop])
    deg = jnp.zeros((n,), dtype=jnp.float32).at[dst_f].add(1.0)
    dinv = jax.lax.rsqrt(jnp.maximum(deg, 1.0))
    norm = dinv[src_f] * dinv[dst_f]
    h = x @ W
    msgs = jnp.take(h, src_f, axis=0) * norm[:, None]
    agg = jax.ops.segment_sum(msgs, dst_f, num_segments=n)
    out = agg + b
    # Dropout(0.5) is identity at inference.
    # GlobalSumPool: sum over node axis (single-graph mode)
    pooled = jnp.sum(out, axis=0)
    # Dense with softmax activation
    logits = pooled @ Wd + bd
    return jax.nn.softmax(logits)

if __name__ == "__main__":
    import jax
    _d = setup_inputs()
    print(jax.jit(kernel)(*tuple(_d.values())))

</pallas_src>

<mosaic_0001>
#map = affine_map<(d0, d1) -> (0, 0)>
#map1 = affine_map<(d0, d1) -> (0)>
module attributes {stable_mosaic.version = 14 : i64} {
  func.func @_sc_fused_body(%arg0: i32, %arg1: i32, %arg2: memref<2x320000xi32, #tpu.memory_space<hbm>>, %arg3: memref<16x10240xf32, #tpu.memory_space<hbm>>, %arg4: memref<10240xf32, #tpu.memory_space<hbm>>, %arg5: memref<2x20480xi32, #tpu.memory_space<vmem>>, %arg6: memref<10240xf32, #tpu.memory_space<vmem>>, %arg7: memref<10240xf32, #tpu.memory_space<vmem>>, %arg8: memref<10240xf32, #tpu.memory_space<vmem>>, %arg9: memref<16x640xf32, #tpu.memory_space<vmem>>, %arg10: memref<640xf32, #tpu.memory_space<vmem>>, %arg11: memref<16x10240xf32, #tpu.memory_space<vmem_shared>>, %arg12: memref<10240xf32, #tpu.memory_space<vmem_shared>>, %arg13: memref<!tpu.dma_semaphore, #tpu.memory_space<semaphore_mem>>) attributes {dimension_semantics = [#tpu.dimension_semantics<core_parallel>, #tpu.dimension_semantics<subcore_parallel>], iteration_bounds = array<i64: 2, 16>, scalar_prefetch = 0 : i64, scratch_operands = 9 : i64, tpu.core_type = #tpu.core_type<sc_vector_subcore>, window_params = [{transform_indices = #map}, {transform_indices = #map}, {transform_indices = #map1}]} {
    %eq3A = arith.constant 0 : i32
    %eq3A_0 = arith.cmpi eq, %arg0, %eq3A : i32
    %convert_element_type3A = arith.extui %eq3A_0 : i1 to i32
    %cond3A = arith.constant 0 : i32
    %cond3A_1 = arith.cmpi ne, %convert_element_type3A, %cond3A : i32
    scf.if %cond3A_1 {
      %mul3A = arith.constant 19968 : i32
      %mul3A_2 = arith.muli %arg1, %mul3A : i32
      %multiple_of3A = tpu.assume_multiple %mul3A_2, 512 : i32
      %mul3A_3 = arith.constant 32 : i32
      %mul3A_4 = arith.muli %arg1, %mul3A_3 : i32
      %mul3A_5 = arith.constant 640 : i32
      %mul3A_6 = arith.muli %arg1, %mul3A_5 : i32
      %dma_start3A = arith.constant 0 : i32
      %dma_start3A_7 = tpu.memref_slice %arg2[%dma_start3A, %multiple_of3A] : memref<2x320000xi32, #tpu.memory_space<hbm>> -> memref<2x20480xi32, #tpu.memory_space<hbm>>
      %dma_start3A_8 = arith.constant 0 : i32
      %dma_start3A_9 = tpu.memref_slice %arg2[%dma_start3A_8, %multiple_of3A] : memref<2x320000xi32, #tpu.memory_space<hbm>> -> memref<2x20480xi32, #tpu.memory_space<hbm>>
      tpu.enqueue_dma source(%dma_start3A_9 : memref<2x20480xi32, #tpu.memory_space<hbm>>) target(%arg5 : memref<2x20480xi32, #tpu.memory_space<vmem>>) target_semaphore(%arg13 : memref<!tpu.dma_semaphore, #tpu.memory_space<semaphore_mem>>)
      %broadcast_in_dim3A = arith.constant 0.000000e+00 : f32
      %broadcast_in_dim3A_10 = vector.broadcast %broadcast_in_dim3A : f32 to vector<16xf32>
      %broadcast_in_dim3A_11 = arith.constant 1.000000e+00 : f32
      %broadcast_in_dim3A_12 = vector.broadcast %broadcast_in_dim3A_11 : f32 to vector<16xf32>
      %parallel_loop3A = arith.constant 0 : i32
      %parallel_loop3A_13 = arith.constant 640 : i32
      %parallel_loop3A_14 = arith.constant 1 : i32
      scf.for %parallel_loop3A_33 = %parallel_loop3A to %parallel_loop3A_13 step %parallel_loop3A_14  : i32 {
        %parallel_loop3A_34 = arith.constant 16 : i32
        %parallel_loop3A_35 = arith.muli %parallel_loop3A_33, %parallel_loop3A_34 : i32
        %parallel_loop3A_36 = arith.index_cast %parallel_loop3A_35 : i32 to index
        %parallel_loop3A_37 = tpu.vector_load %arg6[%parallel_loop3A_36] {strides = array<i32>} : memref<10240xf32, #tpu.memory_space<vmem>>, vector<16xf32>,
        tpu.vector_store %arg6[%parallel_loop3A_36], %broadcast_in_dim3A_10 {strides = array<i32>} : memref<10240xf32, #tpu.memory_space<vmem>>, vector<16xf32>,
        %parallel_loop3A_38 = arith.constant 16 : i32
        %parallel_loop3A_39 = arith.muli %parallel_loop3A_33, %parallel_loop3A_38 : i32
        %parallel_loop3A_40 = arith.index_cast %parallel_loop3A_39 : i32 to index
        %parallel_loop3A_41 = tpu.vector_load %arg7[%parallel_loop3A_40] {strides = array<i32>} : memref<10240xf32, #tpu.memory_space<vmem>>, vector<16xf32>,
        tpu.vector_store %arg7[%parallel_loop3A_40], %broadcast_in_dim3A_10 {strides = array<i32>} : memref<10240xf32, #tpu.memory_space<vmem>>, vector<16xf32>,
      } {sc.loop_unroll_factor = 16 : i64, sc.parallel_access}
      %dma_wait3A = arith.constant 0 : i32
      %dma_wait3A_15 = tpu.memref_slice %arg2[%dma_wait3A, %multiple_of3A] : memref<2x320000xi32, #tpu.memory_space<hbm>> -> memref<2x20480xi32, #tpu.memory_space<hbm>>
      %dma_wait3A_16 = arith.constant 0 : i32
      %dma_wait3A_17 = tpu.memref_slice %arg2[%dma_wait3A_16, %multiple_of3A] : memref<2x320000xi32, #tpu.memory_space<hbm>> -> memref<2x20480xi32, #tpu.memory_space<hbm>>
      tpu.wait_dma2 semaphore(%arg13 : memref<!tpu.dma_semaphore, #tpu.memory_space<semaphore_mem>>) src(%dma_wait3A_17 : memref<2x20480xi32, #tpu.memory_space<hbm>>) dst(%arg5 : memref<2x20480xi32, #tpu.memory_space<vmem>>)
      %parallel_loop3A_18 = arith.constant 0 : i32
      %parallel_loop3A_19 = arith.constant 1250 : i32
      %parallel_loop3A_20 = arith.constant 1 : i32
      scf.for %parallel_loop3A_33 = %parallel_loop3A_18 to %parallel_loop3A_19 step %parallel_loop3A_20  : i32 {
        %parallel_loop3A_34 = arith.constant 16 : i32
        %parallel_loop3A_35 = arith.muli %parallel_loop3A_33, %parallel_loop3A_34 : i32
        %parallel_loop3A_36 = arith.addi %mul3A_4, %parallel_loop3A_35 : i32
        %parallel_loop3A_37 = arith.constant 1 : i32
        %parallel_loop3A_38 = arith.index_cast %parallel_loop3A_37 : i32 to index
        %parallel_loop3A_39 = arith.index_cast %parallel_loop3A_36 : i32 to index
        %parallel_loop3A_40 = tpu.vector_load %arg5[%parallel_loop3A_38, %parallel_loop3A_39] {strides = array<i32>} : memref<2x20480xi32, #tpu.memory_space<vmem>>, vector<16xi32>,
        tpu.vector_store_idx %arg6[%parallel_loop3A_40], %broadcast_in_dim3A_12 {add = true} : memref<10240xf32, #tpu.memory_space<vmem>>[vector<16xi32>], vector<16xf32>,
      } {sc.loop_unroll_factor = 10 : i64, sc.parallel_access}
      "tpu.region"() ({
        %run_scoped3A = tpu.sem_alloc : memref<!tpu.dma_semaphore, #tpu.memory_space<semaphore_mem>>
        %dma_start3A_33 = arith.constant 0 : i32
        %dma_start3A_34 = tpu.memref_slice %arg11[%arg1, %dma_start3A_33] : memref<16x10240xf32, #tpu.memory_space<vmem_shared>> -> memref<1x10240xf32, #tpu.memory_space<vmem_shared>>
        %dma_start3A_35 = tpu.memref_squeeze %dma_start3A_34 : memref<1x10240xf32, #tpu.memory_space<vmem_shared>> -> memref<10240xf32, #tpu.memory_space<vmem_shared>>
        %dma_start3A_36 = arith.constant 0 : i32
        %dma_start3A_37 = tpu.memref_slice %arg11[%arg1, %dma_start3A_36] : memref<16x10240xf32, #tpu.memory_space<vmem_shared>> -> memref<1x10240xf32, #tpu.memory_space<vmem_shared>>
        %dma_start3A_38 = tpu.memref_squeeze %dma_start3A_37 : memref<1x10240xf32, #tpu.memory_space<vmem_shared>> -> memref<10240xf32, #tpu.memory_space<vmem_shared>>
        tpu.enqueue_dma source(%arg6 : memref<10240xf32, #tpu.memory_space<vmem>>) target(%dma_start3A_38 : memref<10240xf32, #tpu.memory_space<vmem_shared>>) target_semaphore(%run_scoped3A : memref<!tpu.dma_semaphore, #tpu.memory_space<semaphore_mem>>)
        %dma_wait3A_39 = arith.constant 0 : i32
        %dma_wait3A_40 = tpu.memref_slice %arg11[%arg1, %dma_wait3A_39] : memref<16x10240xf32, #tpu.memory_space<vmem_shared>> -> memref<1x10240xf32, #tpu.memory_space<vmem_shared>>
        %dma_wait3A_41 = tpu.memref_squeeze %dma_wait3A_40 : memref<1x10240xf32, #tpu.memory_space<vmem_shared>> -> memref<10240xf32, #tpu.memory_space<vmem_shared>>
        %dma_wait3A_42 = arith.constant 0 : i32
        %dma_wait3A_43 = tpu.memref_slice %arg11[%arg1, %dma_wait3A_42] : memref<16x10240xf32, #tpu.memory_space<vmem_shared>> -> memref<1x10240xf32, #tpu.memory_space<vmem_shared>>
        %dma_wait3A_44 = tpu.memref_squeeze %dma_wait3A_43 : memref<1x10240xf32, #tpu.memory_space<vmem_shared>> -> memref<10240xf32, #tpu.memory_space<vmem_shared>>
        tpu.wait_dma2 semaphore(%run_scoped3A : memref<!tpu.dma_semaphore, #tpu.memory_space<semaphore_mem>>) src(%arg6 : memref<10240xf32, #tpu.memory_space<vmem>>) dst(%dma_wait3A_44 : memref<10240xf32, #tpu.memory_space<vmem_shared>>)
        tpu.yield
      }) : () -> ()
      %barrier3A = arith.constant 0 : index
      tpu.barrier barrier_id(%barrier3A)
      "tpu.region"() ({
        %run_scoped3A = tpu.sem_alloc : memref<!tpu.dma_semaphore, #tpu.memory_space<semaphore_mem>>
        %dma_start3A_33 = arith.constant 0 : i32
        %dma_start3A_34 = tpu.memref_slice %arg11[%dma_start3A_33, %mul3A_6] : memref<16x10240xf32, #tpu.memory_space<vmem_shared>> -> memref<16x640xf32, #tpu.memory_space<vmem_shared>>
        %dma_start3A_35 = arith.constant 0 : i32
        %dma_start3A_36 = tpu.memref_slice %arg11[%dma_start3A_35, %mul3A_6] : memref<16x10240xf32, #tpu.memory_space<vmem_shared>> -> memref<16x640xf32, #tpu.memory_space<vmem_shared>>
        tpu.enqueue_dma source(%dma_start3A_36 : memref<16x640xf32, #tpu.memory_space<vmem_shared>>) target(%arg9 : memref<16x640xf32, #tpu.memory_space<vmem>>) target_semaphore(%run_scoped3A : memref<!tpu.dma_semaphore, #tpu.memory_space<semaphore_mem>>)
        %dma_wait3A_37 = arith.constant 0 : i32
        %dma_wait3A_38 = tpu.memref_slice %arg11[%dma_wait3A_37, %mul3A_6] : memref<16x10240xf32, #tpu.memory_space<vmem_shared>> -> memref<16x640xf32, #tpu.memory_space<vmem_shared>>
        %dma_wait3A_39 = arith.constant 0 : i32
        %dma_wait3A_40 = tpu.memref_slice %arg11[%dma_wait3A_39, %mul3A_6] : memref<16x10240xf32, #tpu.memory_space<vmem_shared>> -> memref<16x640xf32, #tpu.memory_space<vmem_shared>>
        tpu.wait_dma2 semaphore(%run_scoped3A : memref<!tpu.dma_semaphore, #tpu.memory_space<semaphore_mem>>) src(%dma_wait3A_40 : memref<16x640xf32, #tpu.memory_space<vmem_shared>>) dst(%arg9 : memref<16x640xf32, #tpu.memory_space<vmem>>)
        tpu.yield
      }) : () -> ()
      %parallel_loop3A_21 = arith.constant 0 : i32
      %parallel_loop3A_22 = arith.constant 40 : i32
      %parallel_loop3A_23 = arith.constant 1 : i32
      scf.for %parallel_loop3A_33 = %parallel_loop3A_21 to %parallel_loop3A_22 step %parallel_loop3A_23  : i32 {
        %parallel_loop3A_34 = arith.constant 16 : i32
        %parallel_loop3A_35 = arith.muli %parallel_loop3A_33, %parallel_loop3A_34 : i32
        %parallel_loop3A_36 = arith.constant 0 : i32
        %parallel_loop3A_37 = arith.index_cast %parallel_loop3A_36 : i32 to index
        %parallel_loop3A_38 = arith.index_cast %parallel_loop3A_35 : i32 to index
        %parallel_loop3A_39 = tpu.vector_load %arg9[%parallel_loop3A_37, %parallel_loop3A_38] {strides = array<i32>} : memref<16x640xf32, #tpu.memory_space<vmem>>, vector<16xf32>,
        %parallel_loop3A_40 = arith.constant 16 : i32
        %parallel_loop3A_41 = arith.muli %parallel_loop3A_33, %parallel_loop3A_40 : i32
        %parallel_loop3A_42 = arith.constant 1 : i32
        %parallel_loop3A_43 = arith.index_cast %parallel_loop3A_42 : i32 to index
        %parallel_loop3A_44 = arith.index_cast %parallel_loop3A_41 : i32 to index
        %parallel_loop3A_45 = tpu.vector_load %arg9[%parallel_loop3A_43, %parallel_loop3A_44] {strides = array<i32>} : memref<16x640xf32, #tpu.memory_space<vmem>>, vector<16xf32>,
        %parallel_loop3A_46 = arith.addf %parallel_loop3A_39, %parallel_loop3A_45 : vector<16xf32>
        %parallel_loop3A_47 = arith.constant 16 : i32
        %parallel_loop3A_48 = arith.muli %parallel_loop3A_33, %parallel_loop3A_47 : i32
        %parallel_loop3A_49 = arith.constant 2 : i32
        %parallel_loop3A_50 = arith.index_cast %parallel_loop3A_49 : i32 to index
        %parallel_loop3A_51 = arith.index_cast %parallel_loop3A_48 : i32 to index
        %parallel_loop3A_52 = tpu.vector_load %arg9[%parallel_loop3A_50, %parallel_loop3A_51] {strides = array<i32>} : memref<16x640xf32, #tpu.memory_space<vmem>>, vector<16xf32>,
        %parallel_loop3A_53 = arith.addf %parallel_loop3A_46, %parallel_loop3A_52 : vector<16xf32>
        %parallel_loop3A_54 = arith.constant 16 : i32
        %parallel_loop3A_55 = arith.muli %parallel_loop3A_33, %parallel_loop3A_54 : i32
        %parallel_loop3A_56 = arith.constant 3 : i32
        %parallel_loop3A_57 = arith.index_cast %parallel_loop3A_56 : i32 to index
        %parallel_loop3A_58 = arith.index_cast %parallel_loop3A_55 : i32 to index
        %parallel_loop3A_59 = tpu.vector_load %arg9[%parallel_loop3A_57, %parallel_loop3A_58] {strides = array<i32>} : memref<16x640xf32, #tpu.memory_space<vmem>>, vector<16xf32>,
        %parallel_loop3A_60 = arith.addf %parallel_loop3A_53, %parallel_loop3A_59 : vector<16xf32>
        %parallel_loop3A_61 = arith.constant 16 : i32
        %parallel_loop3A_62 = arith.muli %parallel_loop3A_33, %parallel_loop3A_61 : i32
        %parallel_loop3A_63 = arith.constant 4 : i32
        %parallel_loop3A_64 = arith.index_cast %parallel_loop3A_63 : i32 to index
        %parallel_loop3A_65 = arith.index_cast %parallel_loop3A_62 : i32 to index
        %parallel_loop3A_66 = tpu.vector_load %arg9[%parallel_loop3A_64, %parallel_loop3A_65] {strides = array<i32>} : memref<16x640xf32, #tpu.memory_space<vmem>>, vector<16xf32>,
        %parallel_loop3A_67 = arith.addf %parallel_loop3A_60, %parallel_loop3A_66 : vector<16xf32>
        %parallel_loop3A_68 = arith.constant 16 : i32
        %parallel_loop3A_69 = arith.muli %parallel_loop3A_33, %parallel_loop3A_68 : i32
        %parallel_loop3A_70 = arith.constant 5 : i32
        %parallel_loop3A_71 = arith.index_cast %parallel_loop3A_70 : i32 to index
        %parallel_loop3A_72 = arith.index_cast %parallel_loop3A_69 : i32 to index
        %parallel_loop3A_73 = tpu.vector_load %arg9[%parallel_loop3A_71, %parallel_loop3A_72] {strides = array<i32>} : memref<16x640xf32, #tpu.memory_space<vmem>>, vector<16xf32>,
        %parallel_loop3A_74 = arith.addf %parallel_loop3A_67, %parallel_loop3A_73 : vector<16xf32>
        %parallel_loop3A_75 = arith.constant 16 : i32
        %parallel_loop3A_76 = arith.muli %parallel_loop3A_33, %parallel_loop3A_75 : i32
        %parallel_loop3A_77 = arith.constant 6 : i32
        %parallel_loop3A_78 = arith.index_cast %parallel_loop3A_77 : i32 to index
        %parallel_loop3A_79 = arith.index_cast %parallel_loop3A_76 : i32 to index
        %parallel_loop3A_80 = tpu.vector_load %arg9[%parallel_loop3A_78, %parallel_loop3A_79] {strides = array<i32>} : memref<16x640xf32, #tpu.memory_space<vmem>>, vector<16xf32>,
        %parallel_loop3A_81 = arith.addf %parallel_loop3A_74, %parallel_loop3A_80 : vector<16xf32>
        %parallel_loop3A_82 = arith.constant 16 : i32
        %parallel_loop3A_83 = arith.muli %parallel_loop3A_33, %parallel_loop3A_82 : i32
        %parallel_loop3A_84 = arith.constant 7 : i32
        %parallel_loop3A_85 = arith.index_cast %parallel_loop3A_84 : i32 to index
        %parallel_loop3A_86 = arith.index_cast %parallel_loop3A_83 : i32 to index
        %parallel_loop3A_87 = tpu.vector_load %arg9[%parallel_loop3A_85, %parallel_loop3A_86] {strides = array<i32>} : memref<16x640xf32, #tpu.memory_space<vmem>>, vector<16xf32>,
        %parallel_loop3A_88 = arith.addf %parallel_loop3A_81, %parallel_loop3A_87 : vector<16xf32>
        %parallel_loop3A_89 = arith.constant 16 : i32
        %parallel_loop3A_90 = arith.muli %parallel_loop3A_33, %parallel_loop3A_89 : i32
        %parallel_loop3A_91 = arith.constant 8 : i32
        %parallel_loop3A_92 = arith.index_cast %parallel_loop3A_91 : i32 to index
        %parallel_loop3A_93 = arith.index_cast %parallel_loop3A_90 : i32 to index
        %parallel_loop3A_94 = tpu.vector_load %arg9[%parallel_loop3A_92, %parallel_loop3A_93] {strides = array<i32>} : memref<16x640xf32, #tpu.memory_space<vmem>>, vector<16xf32>,
        %parallel_loop3A_95 = arith.addf %parallel_loop3A_88, %parallel_loop3A_94 : vector<16xf32>
        %parallel_loop3A_96 = arith.constant 16 : i32
        %parallel_loop3A_97 = arith.muli %parallel_loop3A_33, %parallel_loop3A_96 : i32
        %parallel_loop3A_98 = arith.constant 9 : i32
        %parallel_loop3A_99 = arith.index_cast %parallel_loop3A_98 : i32 to index
        %parallel_loop3A_100 = arith.index_cast %parallel_loop3A_97 : i32 to index
        %parallel_loop3A_101 = tpu.vector_load %arg9[%parallel_loop3A_99, %parallel_loop3A_100] {strides = array<i32>} : memref<16x640xf32, #tpu.memory_space<vmem>>, vector<16xf32>,
        %parallel_loop3A_102 = arith.addf %parallel_loop3A_95, %parallel_loop3A_101 : vector<16xf32>
        %parallel_loop3A_103 = arith.constant 16 : i32
        %parallel_loop3A_104 = arith.muli %parallel_loop3A_33, %parallel_loop3A_103 : i32
        %parallel_loop3A_105 = arith.constant 10 : i32
        %parallel_loop3A_106 = arith.index_cast %parallel_loop3A_105 : i32 to index
        %parallel_loop3A_107 = arith.index_cast %parallel_loop3A_104 : i32 to index
        %parallel_loop3A_108 = tpu.vector_load %arg9[%parallel_loop3A_106, %parallel_loop3A_107] {strides = array<i32>} : memref<16x640xf32, #tpu.memory_space<vmem>>, vector<16xf32>,
        %parallel_loop3A_109 = arith.addf %parallel_loop3A_102, %parallel_loop3A_108 : vector<16xf32>
        %parallel_loop3A_110 = arith.constant 16 : i32
        %parallel_loop3A_111 = arith.muli %parallel_loop3A_33, %parallel_loop3A_110 : i32
        %parallel_loop3A_112 = arith.constant 11 : i32
        %parallel_loop3A_113 = arith.index_cast %parallel_loop3A_112 : i32 to index
        %parallel_loop3A_114 = arith.index_cast %parallel_loop3A_111 : i32 to index
        %parallel_loop3A_115 = tpu.vector_load %arg9[%parallel_loop3A_113, %parallel_loop3A_114] {strides = array<i32>} : memref<16x640xf32, #tpu.memory_space<vmem>>, vector<16xf32>,
        %parallel_loop3A_116 = arith.addf %parallel_loop3A_109, %parallel_loop3A_115 : vector<16xf32>
        %parallel_loop3A_117 = arith.constant 16 : i32
        %parallel_loop3A_118 = arith.muli %parallel_loop3A_33, %parallel_loop3A_117 : i32
        %parallel_loop3A_119 = arith.constant 12 : i32
        %parallel_loop3A_120 = arith.index_cast %parallel_loop3A_119 : i32 to index
        %parallel_loop3A_121 = arith.index_cast %parallel_loop3A_118 : i32 to index
        %parallel_loop3A_122 = tpu.vector_load %arg9[%parallel_loop3A_120, %parallel_loop3A_121] {strides = array<i32>} : memref<16x640xf32, #tpu.memory_space<vmem>>, vector<16xf32>,
        %parallel_loop3A_123 = arith.addf %parallel_loop3A_116, %parallel_loop3A_122 : vector<16xf32>
        %parallel_loop3A_124 = arith.constant 16 : i32
        %parallel_loop3A_125 = arith.muli %parallel_loop3A_33, %parallel_loop3A_124 : i32
        %parallel_loop3A_126 = arith.constant 13 : i32
        %parallel_loop3A_127 = arith.index_cast %parallel_loop3A_126 : i32 to index
        %parallel_loop3A_128 = arith.index_cast %parallel_loop3A_125 : i32 to index
        %parallel_loop3A_129 = tpu.vector_load %arg9[%parallel_loop3A_127, %parallel_loop3A_128] {strides = array<i32>} : memref<16x640xf32, #tpu.memory_space<vmem>>, vector<16xf32>,
        %parallel_loop3A_130 = arith.addf %parallel_loop3A_123, %parallel_loop3A_129 : vector<16xf32>
        %parallel_loop3A_131 = arith.constant 16 : i32
        %parallel_loop3A_132 = arith.muli %parallel_loop3A_33, %parallel_loop3A_131 : i32
        %parallel_loop3A_133 = arith.constant 14 : i32
        %parallel_loop3A_134 = arith.index_cast %parallel_loop3A_133 : i32 to index
        %parallel_loop3A_135 = arith.index_cast %parallel_loop3A_132 : i32 to index
        %parallel_loop3A_136 = tpu.vector_load %arg9[%parallel_loop3A_134, %parallel_loop3A_135] {strides = array<i32>} : memref<16x640xf32, #tpu.memory_space<vmem>>, vector<16xf32>,
        %parallel_loop3A_137 = arith.addf %parallel_loop3A_130, %parallel_loop3A_136 : vector<16xf32>
        %parallel_loop3A_138 = arith.constant 16 : i32
        %parallel_loop3A_139 = arith.muli %parallel_loop3A_33, %parallel_loop3A_138 : i32
        %parallel_loop3A_140 = arith.constant 15 : i32
        %parallel_loop3A_141 = arith.index_cast %parallel_loop3A_140 : i32 to index
        %parallel_loop3A_142 = arith.index_cast %parallel_loop3A_139 : i32 to index
        %parallel_loop3A_143 = tpu.vector_load %arg9[%parallel_loop3A_141, %parallel_loop3A_142] {strides = array<i32>} : memref<16x640xf32, #tpu.memory_space<vmem>>, vector<16xf32>,
        %parallel_loop3A_144 = arith.addf %parallel_loop3A_137, %parallel_loop3A_143 : vector<16xf32>
        %parallel_loop3A_145 = arith.constant 1.000000e+00 : f32
        %parallel_loop3A_146 = vector.broadcast %parallel_loop3A_145 : f32 to vector<16xf32>
        %parallel_loop3A_147 = arith.addf %parallel_loop3A_144, %parallel_loop3A_146 : vector<16xf32>
        %parallel_loop3A_148 = tpu.bitcast %parallel_loop3A_147 : vector<16xf32> -> vector<16xi32>
        %parallel_loop3A_149 = arith.constant 1 : i32
        %parallel_loop3A_150 = vector.broadcast %parallel_loop3A_149 : i32 to vector<16xi32>
        %parallel_loop3A_151 = arith.shrui %parallel_loop3A_148, %parallel_loop3A_150 : vector<16xi32>
        %parallel_loop3A_152 = arith.constant 1597463007 : i32
        %parallel_loop3A_153 = vector.broadcast %parallel_loop3A_152 : i32 to vector<16xi32>
        %parallel_loop3A_154 = arith.subi %parallel_loop3A_153, %parallel_loop3A_151 : vector<16xi32>
        %parallel_loop3A_155 = tpu.bitcast %parallel_loop3A_154 : vector<16xi32> -> vector<16xf32>
        %parallel_loop3A_156 = arith.constant 5.000000e-01 : f32
        %parallel_loop3A_157 = vector.broadcast %parallel_loop3A_156 : f32 to vector<16xf32>
        %parallel_loop3A_158 = arith.mulf %parallel_loop3A_157, %parallel_loop3A_147 : vector<16xf32>
        %parallel_loop3A_159 = arith.mulf %parallel_loop3A_158, %parallel_loop3A_155 : vector<16xf32>
        %parallel_loop3A_160 = arith.mulf %parallel_loop3A_159, %parallel_loop3A_155 : vector<16xf32>
        %parallel_loop3A_161 = arith.constant 1.500000e+00 : f32
        %parallel_loop3A_162 = vector.broadcast %parallel_loop3A_161 : f32 to vector<16xf32>
        %parallel_loop3A_163 = arith.subf %parallel_loop3A_162, %parallel_loop3A_160 : vector<16xf32>
        %parallel_loop3A_164 = arith.mulf %parallel_loop3A_155, %parallel_loop3A_163 : vector<16xf32>
        %parallel_loop3A_165 = arith.constant 5.000000e-01 : f32
        %parallel_loop3A_166 = vector.broadcast %parallel_loop3A_165 : f32 to vector<16xf32>
        %parallel_loop3A_167 = arith.mulf %parallel_loop3A_166, %parallel_loop3A_147 : vector<16xf32>
        %parallel_loop3A_168 = arith.mulf %parallel_loop3A_167, %parallel_loop3A_164 : vector<16xf32>
        %parallel_loop3A_169 = arith.mulf %parallel_loop3A_168, %parallel_loop3A_164 : vector<16xf32>
        %parallel_loop3A_170 = arith.constant 1.500000e+00 : f32
        %parallel_loop3A_171 = vector.broadcast %parallel_loop3A_170 : f32 to vector<16xf32>
        %parallel_loop3A_172 = arith.subf %parallel_loop3A_171, %parallel_loop3A_169 : vector<16xf32>
        %parallel_loop3A_173 = arith.mulf %parallel_loop3A_164, %parallel_loop3A_172 : vector<16xf32>
        %parallel_loop3A_174 = arith.constant 5.000000e-01 : f32
        %parallel_loop3A_175 = vector.broadcast %parallel_loop3A_174 : f32 to vector<16xf32>
        %parallel_loop3A_176 = arith.mulf %parallel_loop3A_175, %parallel_loop3A_147 : vector<16xf32>
        %parallel_loop3A_177 = arith.mulf %parallel_loop3A_176, %parallel_loop3A_173 : vector<16xf32>
        %parallel_loop3A_178 = arith.mulf %parallel_loop3A_177, %parallel_loop3A_173 : vector<16xf32>
        %parallel_loop3A_179 = arith.constant 1.500000e+00 : f32
        %parallel_loop3A_180 = vector.broadcast %parallel_loop3A_179 : f32 to vector<16xf32>
        %parallel_loop3A_181 = arith.subf %parallel_loop3A_180, %parallel_loop3A_178 : vector<16xf32>
        %parallel_loop3A_182 = arith.mulf %parallel_loop3A_173, %parallel_loop3A_181 : vector<16xf32>
        %parallel_loop3A_183 = arith.constant 16 : i32
        %parallel_loop3A_184 = arith.muli %parallel_loop3A_33, %parallel_loop3A_183 : i32
        %parallel_loop3A_185 = arith.index_cast %parallel_loop3A_184 : i32 to index
        %parallel_loop3A_186 = tpu.vector_load %arg10[%parallel_loop3A_185] {strides = array<i32>} : memref<640xf32, #tpu.memory_space<vmem>>, vector<16xf32>,
        tpu.vector_store %arg10[%parallel_loop3A_185], %parallel_loop3A_182 {strides = array<i32>} : memref<640xf32, #tpu.memory_space<vmem>>, vector<16xf32>,
      } {sc.loop_unroll_factor = 4 : i64, sc.parallel_access}
      %eq3A_24 = arith.constant 15 : i32
      %eq3A_25 = arith.cmpi eq, %arg1, %eq3A_24 : i32
      %convert_element_type3A_26 = arith.extui %eq3A_25 : i1 to i32
      %cond3A_27 = arith.constant 0 : i32
      %cond3A_28 = arith.cmpi ne, %convert_element_type3A_26, %cond3A_27 : i32
      scf.if %cond3A_28 {
        %swap3A = arith.constant 400 : index
        %swap3A_33 = tpu.vector_load %arg10[%swap3A] {strides = array<i32>} : memref<640xf32, #tpu.memory_space<vmem>>, vector<16xf32>,
        tpu.vector_store %arg10[%swap3A], %broadcast_in_dim3A_10 {strides = array<i32>} : memref<640xf32, #tpu.memory_space<vmem>>, vector<16xf32>,
        %swap3A_34 = arith.constant 416 : index
        %swap3A_35 = tpu.vector_load %arg10[%swap3A_34] {strides = array<i32>} : memref<640xf32, #tpu.memory_space<vmem>>, vector<16xf32>,
        tpu.vector_store %arg10[%swap3A_34], %broadcast_in_dim3A_10 {strides = array<i32>} : memref<640xf32, #tpu.memory_space<vmem>>, vector<16xf32>,
        %swap3A_36 = arith.constant 432 : index
        %swap3A_37 = tpu.vector_load %arg10[%swap3A_36] {strides = array<i32>} : memref<640xf32, #tpu.memory_space<vmem>>, vector<16xf32>,
        tpu.vector_store %arg10[%swap3A_36], %broadcast_in_dim3A_10 {strides = array<i32>} : memref<640xf32, #tpu.memory_space<vmem>>, vector<16xf32>,
        %swap3A_38 = arith.constant 448 : index
        %swap3A_39 = tpu.vector_load %arg10[%swap3A_38] {strides = array<i32>} : memref<640xf32, #tpu.memory_space<vmem>>, vector<16xf32>,
        tpu.vector_store %arg10[%swap3A_38], %broadcast_in_dim3A_10 {strides = array<i32>} : memref<640xf32, #tpu.memory_space<vmem>>, vector<16xf32>,
        %swap3A_40 = arith.constant 464 : index
        %swap3A_41 = tpu.vector_load %arg10[%swap3A_40] {strides = array<i32>} : memref<640xf32, #tpu.memory_space<vmem>>, vector<16xf32>,
        tpu.vector_store %arg10[%swap3A_40], %broadcast_in_dim3A_10 {strides = array<i32>} : memref<640xf32, #tpu.memory_space<vmem>>, vector<16xf32>,
        %swap3A_42 = arith.constant 480 : index
        %swap3A_43 = tpu.vector_load %arg10[%swap3A_42] {strides = array<i32>} : memref<640xf32, #tpu.memory_space<vmem>>, vector<16xf32>,
        tpu.vector_store %arg10[%swap3A_42], %broadcast_in_dim3A_10 {strides = array<i32>} : memref<640xf32, #tpu.memory_space<vmem>>, vector<16xf32>,
        %swap3A_44 = arith.constant 496 : index
        %swap3A_45 = tpu.vector_load %arg10[%swap3A_44] {strides = array<i32>} : memref<640xf32, #tpu.memory_space<vmem>>, vector<16xf32>,
        tpu.vector_store %arg10[%swap3A_44], %broadcast_in_dim3A_10 {strides = array<i32>} : memref<640xf32, #tpu.memory_space<vmem>>, vector<16xf32>,
        %swap3A_46 = arith.constant 512 : index
        %swap3A_47 = tpu.vector_load %arg10[%swap3A_46] {strides = array<i32>} : memref<640xf32, #tpu.memory_space<vmem>>, vector<16xf32>,
        tpu.vector_store %arg10[%swap3A_46], %broadcast_in_dim3A_10 {strides = array<i32>} : memref<640xf32, #tpu.memory_space<vmem>>, vector<16xf32>,
        %swap3A_48 = arith.constant 528 : index
        %swap3A_49 = tpu.vector_load %arg10[%swap3A_48] {strides = array<i32>} : memref<640xf32, #tpu.memory_space<vmem>>, vector<16xf32>,
        tpu.vector_store %arg10[%swap3A_48], %broadcast_in_dim3A_10 {strides = array<i32>} : memref<640xf32, #tpu.memory_space<vmem>>, vector<16xf32>,
        %swap3A_50 = arith.constant 544 : index
        %swap3A_51 = tpu.vector_load %arg10[%swap3A_50] {strides = array<i32>} : memref<640xf32, #tpu.memory_space<vmem>>, vector<16xf32>,
        tpu.vector_store %arg10[%swap3A_50], %broadcast_in_dim3A_10 {strides = array<i32>} : memref<640xf32, #tpu.memory_space<vmem>>, vector<16xf32>,
        %swap3A_52 = arith.constant 560 : index
        %swap3A_53 = tpu.vector_load %arg10[%swap3A_52] {strides = array<i32>} : memref<640xf32, #tpu.memory_space<vmem>>, vector<16xf32>,
        tpu.vector_store %arg10[%swap3A_52], %broadcast_in_dim3A_10 {strides = array<i32>} : memref<640xf32, #tpu.memory_space<vmem>>, vector<16xf32>,
        %swap3A_54 = arith.constant 576 : index
        %swap3A_55 = tpu.vector_load %arg10[%swap3A_54] {strides = array<i32>} : memref<640xf32, #tpu.memory_space<vmem>>, vector<16xf32>,
        tpu.vector_store %arg10[%swap3A_54], %broadcast_in_dim3A_10 {strides = array<i32>} : memref<640xf32, #tpu.memory_space<vmem>>, vector<16xf32>,
        %swap3A_56 = arith.constant 592 : index
        %swap3A_57 = tpu.vector_load %arg10[%swap3A_56] {strides = array<i32>} : memref<640xf32, #tpu.memory_space<vmem>>, vector<16xf32>,
        tpu.vector_store %arg10[%swap3A_56], %broadcast_in_dim3A_10 {strides = array<i32>} : memref<640xf32, #tpu.memory_space<vmem>>, vector<16xf32>,
        %swap3A_58 = arith.constant 608 : index
        %swap3A_59 = tpu.vector_load %arg10[%swap3A_58] {strides = array<i32>} : memref<640xf32, #tpu.memory_space<vmem>>, vector<16xf32>,
        tpu.vector_store %arg10[%swap3A_58], %broadcast_in_dim3A_10 {strides = array<i32>} : memref<640xf32, #tpu.memory_space<vmem>>, vector<16xf32>,
        %swap3A_60 = arith.constant 624 : index
        %swap3A_61 = tpu.vector_load %arg10[%swap3A_60] {strides = array<i32>} : memref<640xf32, #tpu.memory_space<vmem>>, vector<16xf32>,
        tpu.vector_store %arg10[%swap3A_60], %broadcast_in_dim3A_10 {strides = array<i32>} : memref<640xf32, #tpu.memory_space<vmem>>, vector<16xf32>,
      } else {
      }
      "tpu.region"() ({
        %run_scoped3A = tpu.sem_alloc : memref<!tpu.dma_semaphore, #tpu.memory_space<semaphore_mem>>
        %dma_start3A_33 = tpu.memref_slice %arg12[%mul3A_6] : memref<10240xf32, #tpu.memory_space<vmem_shared>> -> memref<640xf32, #tpu.memory_space<vmem_shared>>
        %dma_start3A_34 = tpu.memref_slice %arg12[%mul3A_6] : memref<10240xf32, #tpu.memory_space<vmem_shared>> -> memref<640xf32, #tpu.memory_space<vmem_shared>>
        tpu.enqueue_dma source(%arg10 : memref<640xf32, #tpu.memory_space<vmem>>) target(%dma_start3A_34 : memref<640xf32, #tpu.memory_space<vmem_shared>>) target_semaphore(%run_scoped3A : memref<!tpu.dma_semaphore, #tpu.memory_space<semaphore_mem>>)
        %dma_wait3A_35 = tpu.memref_slice %arg12[%mul3A_6] : memref<10240xf32, #tpu.memory_space<vmem_shared>> -> memref<640xf32, #tpu.memory_space<vmem_shared>>
        %dma_wait3A_36 = tpu.memref_slice %arg12[%mul3A_6] : memref<10240xf32, #tpu.memory_space<vmem_shared>> -> memref<640xf32, #tpu.memory_space<vmem_shared>>
        tpu.wait_dma2 semaphore(%run_scoped3A : memref<!tpu.dma_semaphore, #tpu.memory_space<semaphore_mem>>) src(%arg10 : memref<640xf32, #tpu.memory_space<vmem>>) dst(%dma_wait3A_36 : memref<640xf32, #tpu.memory_space<vmem_shared>>)
        tpu.yield
      }) : () -> ()
      "tpu.region"() ({
        %run_scoped3A = tpu.sem_alloc : memref<!tpu.dma_semaphore, #tpu.memory_space<semaphore_mem>>
        %dma_start3A_33 = tpu.memref_slice %arg4[%mul3A_6] : memref<10240xf32, #tpu.memory_space<hbm>> -> memref<640xf32, #tpu.memory_space<hbm>>
        %dma_start3A_34 = tpu.memref_slice %arg4[%mul3A_6] : memref<10240xf32, #tpu.memory_space<hbm>> -> memref<640xf32, #tpu.memory_space<hbm>>
        tpu.enqueue_dma source(%arg10 : memref<640xf32, #tpu.memory_space<vmem>>) target(%dma_start3A_34 : memref<640xf32, #tpu.memory_space<hbm>>) target_semaphore(%run_scoped3A : memref<!tpu.dma_semaphore, #tpu.memory_space<semaphore_mem>>)
        %dma_wait3A_35 = tpu.memref_slice %arg4[%mul3A_6] : memref<10240xf32, #tpu.memory_space<hbm>> -> memref<640xf32, #tpu.memory_space<hbm>>
        %dma_wait3A_36 = tpu.memref_slice %arg4[%mul3A_6] : memref<10240xf32, #tpu.memory_space<hbm>> -> memref<640xf32, #tpu.memory_space<hbm>>
        tpu.wait_dma2 semaphore(%run_scoped3A : memref<!tpu.dma_semaphore, #tpu.memory_space<semaphore_mem>>) src(%arg10 : memref<640xf32, #tpu.memory_space<vmem>>) dst(%dma_wait3A_36 : memref<640xf32, #tpu.memory_space<hbm>>)
        tpu.yield
      }) : () -> ()
      %barrier3A_29 = arith.constant 0 : index
      tpu.barrier barrier_id(%barrier3A_29)
      "tpu.region"() ({
        %run_scoped3A = tpu.sem_alloc : memref<!tpu.dma_semaphore, #tpu.memory_space<semaphore_mem>>
        tpu.enqueue_dma source(%arg12 : memref<10240xf32, #tpu.memory_space<vmem_shared>>) target(%arg8 : memref<10240xf32, #tpu.memory_space<vmem>>) target_semaphore(%run_scoped3A : memref<!tpu.dma_semaphore, #tpu.memory_space<semaphore_mem>>)
        tpu.wait_dma2 semaphore(%run_scoped3A : memref<!tpu.dma_semaphore, #tpu.memory_space<semaphore_mem>>) src(%arg12 : memref<10240xf32, #tpu.memory_space<vmem_shared>>) dst(%arg8 : memref<10240xf32, #tpu.memory_space<vmem>>)
        tpu.yield
      }) : () -> ()
      %parallel_loop3A_30 = arith.constant 0 : i32
      %parallel_loop3A_31 = arith.constant 1250 : i32
      %parallel_loop3A_32 = arith.constant 1 : i32
      scf.for %parallel_loop3A_33 = %parallel_loop3A_30 to %parallel_loop3A_31 step %parallel_loop3A_32  : i32 {
        %parallel_loop3A_34 = arith.constant 16 : i32
        %parallel_loop3A_35 = arith.muli %parallel_loop3A_33, %parallel_loop3A_34 : i32
        %parallel_loop3A_36 = arith.addi %mul3A_4, %parallel_loop3A_35 : i32
        %parallel_loop3A_37 = arith.constant 0 : i32
        %parallel_loop3A_38 = arith.index_cast %parallel_loop3A_37 : i32 to index
        %parallel_loop3A_39 = arith.index_cast %parallel_loop3A_36 : i32 to index
        %parallel_loop3A_40 = tpu.vector_load %arg5[%parallel_loop3A_38, %parallel_loop3A_39] {strides = array<i32>} : memref<2x20480xi32, #tpu.memory_space<vmem>>, vector<16xi32>,
        %parallel_loop3A_41 = arith.constant 16 : i32
        %parallel_loop3A_42 = arith.muli %parallel_loop3A_33, %parallel_loop3A_41 : i32
        %parallel_loop3A_43 = arith.addi %mul3A_4, %parallel_loop3A_42 : i32
        %parallel_loop3A_44 = arith.constant 1 : i32
        %parallel_loop3A_45 = arith.index_cast %parallel_loop3A_44 : i32 to index
        %parallel_loop3A_46 = arith.index_cast %parallel_loop3A_43 : i32 to index
        %parallel_loop3A_47 = tpu.vector_load %arg5[%parallel_loop3A_45, %parallel_loop3A_46] {strides = array<i32>} : memref<2x20480xi32, #tpu.memory_space<vmem>>, vector<16xi32>,
        %parallel_loop3A_48 = tpu.vector_load_idx %arg8[%parallel_loop3A_47] : memref<10240xf32, #tpu.memory_space<vmem>>[vector<16xi32>], vector<16xf32>,
        tpu.vector_store_idx %arg7[%parallel_loop3A_40], %parallel_loop3A_48 {add = true} : memref<10240xf32, #tpu.memory_space<vmem>>[vector<16xi32>], vector<16xf32>,
      } {sc.loop_unroll_factor = 10 : i64, sc.parallel_access}
      "tpu.region"() ({
        %run_scoped3A = tpu.sem_alloc : memref<!tpu.dma_semaphore, #tpu.memory_space<semaphore_mem>>
        %dma_start3A_33 = arith.constant 0 : i32
        %dma_start3A_34 = tpu.memref_slice %arg3[%arg1, %dma_start3A_33] : memref<16x10240xf32, #tpu.memory_space<hbm>> -> memref<1x10240xf32, #tpu.memory_space<hbm>>
        %dma_start3A_35 = tpu.memref_squeeze %dma_start3A_34 : memref<1x10240xf32, #tpu.memory_space<hbm>> -> memref<10240xf32, #tpu.memory_space<hbm>>
        %dma_start3A_36 = arith.constant 0 : i32
        %dma_start3A_37 = tpu.memref_slice %arg3[%arg1, %dma_start3A_36] : memref<16x10240xf32, #tpu.memory_space<hbm>> -> memref<1x10240xf32, #tpu.memory_space<hbm>>
        %dma_start3A_38 = tpu.memref_squeeze %dma_start3A_37 : memref<1x10240xf32, #tpu.memory_space<hbm>> -> memref<10240xf32, #tpu.memory_space<hbm>>
        tpu.enqueue_dma source(%arg7 : memref<10240xf32, #tpu.memory_space<vmem>>) target(%dma_start3A_38 : memref<10240xf32, #tpu.memory_space<hbm>>) target_semaphore(%run_scoped3A : memref<!tpu.dma_semaphore, #tpu.memory_space<semaphore_mem>>)
        %dma_wait3A_39 = arith.constant 0 : i32
        %dma_wait3A_40 = tpu.memref_slice %arg3[%arg1, %dma_wait3A_39] : memref<16x10240xf32, #tpu.memory_space<hbm>> -> memref<1x10240xf32, #tpu.memory_space<hbm>>
        %dma_wait3A_41 = tpu.memref_squeeze %dma_wait3A_40 : memref<1x10240xf32, #tpu.memory_space<hbm>> -> memref<10240xf32, #tpu.memory_space<hbm>>
        %dma_wait3A_42 = arith.constant 0 : i32
        %dma_wait3A_43 = tpu.memref_slice %arg3[%arg1, %dma_wait3A_42] : memref<16x10240xf32, #tpu.memory_space<hbm>> -> memref<1x10240xf32, #tpu.memory_space<hbm>>
        %dma_wait3A_44 = tpu.memref_squeeze %dma_wait3A_43 : memref<1x10240xf32, #tpu.memory_space<hbm>> -> memref<10240xf32, #tpu.memory_space<hbm>>
        tpu.wait_dma2 semaphore(%run_scoped3A : memref<!tpu.dma_semaphore, #tpu.memory_space<semaphore_mem>>) src(%arg7 : memref<10240xf32, #tpu.memory_space<vmem>>) dst(%dma_wait3A_44 : memref<10240xf32, #tpu.memory_space<hbm>>)
        tpu.yield
      }) : () -> ()
    } else {
    }
    return
  }
}

module attributes {stable_mosaic.version = 14 : i64} {
  func.func @_tc_final(%arg0: memref<16x10240xf32, #tpu.memory_space<vmem>>, %arg1: memref<1x10240xf32, #tpu.memory_space<vmem>>, %arg2: memref<10000x128xf32, #tpu.memory_space<vmem>>, %arg3: memref<128x128xf32, #tpu.memory_space<vmem>>, %arg4: memref<1x128xf32, #tpu.memory_space<vmem>>, %arg5: memref<128x10xf32, #tpu.memory_space<vmem>>, %arg6: memref<1x10xf32, #tpu.memory_space<vmem>>, %arg7: memref<1x10xf32, #tpu.memory_space<vmem>>) attributes {dimension_semantics = [], scalar_prefetch = 0 : i64, scratch_operands = 0 : i64, tpu.core_type = #tpu.core_type<tc>} {
    %get3A = arith.constant 0 : index
    %get3A_0 = arith.constant 0 : index
    %get3A_1 = vector.load %arg0[%get3A, %get3A_0] : memref<16x10240xf32, #tpu.memory_space<vmem>>, vector<16x10240xf32>
    %reduce_sum3A = arith.constant dense<0.000000e+00> : vector<10240xf32>
    %reduce_sum3A_2 = vector.multi_reduction <add>, %get3A_1, %reduce_sum3A [0] : vector<16x10240xf32> to vector<10240xf32>
    %broadcast_in_dim3A = vector.shape_cast %reduce_sum3A_2 : vector<10240xf32> to vector<1x10240xf32>
    %get3A_3 = arith.constant 0 : index
    %get3A_4 = arith.constant 0 : index
    %get3A_5 = vector.load %arg1[%get3A_3, %get3A_4] : memref<1x10240xf32, #tpu.memory_space<vmem>>, vector<1x10240xf32>
    %add3A = arith.addf %get3A_5, %broadcast_in_dim3A : vector<1x10240xf32>
    %mul3A = arith.mulf %get3A_5, %add3A : vector<1x10240xf32>
    %slice3A = vector.extract_strided_slice %mul3A {offsets = [0, 0], sizes = [1, 10000], strides = [1, 1]} : vector<1x10240xf32> to vector<1x10000xf32>
    %get3A_6 = arith.constant 0 : index
    %get3A_7 = arith.constant 0 : index
    %get3A_8 = vector.load %arg2[%get3A_6, %get3A_7] : memref<10000x128xf32, #tpu.memory_space<vmem>>, vector<10000x128xf32>
    %dot_general3A = arith.constant dense<0.000000e+00> : vector<1x128xf32>
    %dot_general3A_9 = tpu.matmul %slice3A, %get3A_8, %dot_general3A {dimension_numbers = #tpu.dot_dimension_numbers<[1], [0], [0], [1], [0, 0, 1, 1], [], []>, transpose_lhs_hint = false} : vector<1x10000xf32>, vector<10000x128xf32>, vector<1x128xf32> -> vector<1x128xf32>
    %get3A_10 = arith.constant 0 : index
    %get3A_11 = arith.constant 0 : index
    %get3A_12 = vector.load %arg3[%get3A_10, %get3A_11] : memref<128x128xf32, #tpu.memory_space<vmem>>, vector<128x128xf32>
    %dot_general3A_13 = arith.constant dense<0.000000e+00> : vector<1x128xf32>
    %dot_general3A_14 = tpu.matmul %dot_general3A_9, %get3A_12, %dot_general3A_13 {dimension_numbers = #tpu.dot_dimension_numbers<[1], [0], [0], [1], [0, 0, 1, 1], [], []>, transpose_lhs_hint = false} : vector<1x128xf32>, vector<128x128xf32>, vector<1x128xf32> -> vector<1x128xf32>
    %get3A_15 = arith.constant 0 : index
    %get3A_16 = arith.constant 0 : index
    %get3A_17 = vector.load %arg4[%get3A_15, %get3A_16] : memref<1x128xf32, #tpu.memory_space<vmem>>, vector<1x128xf32>
    %mul3A_18 = arith.constant 1.000000e+04 : f32
    %mul3A_19 = vector.broadcast %mul3A_18 : f32 to vector<1x128xf32>
    %mul3A_20 = arith.mulf %mul3A_19, %get3A_17 : vector<1x128xf32>
    %add3A_21 = arith.addf %dot_general3A_14, %mul3A_20 : vector<1x128xf32>
    %get3A_22 = arith.constant 0 : index
    %get3A_23 = arith.constant 0 : index
    %get3A_24 = vector.load %arg5[%get3A_22, %get3A_23] : memref<128x10xf32, #tpu.memory_space<vmem>>, vector<128x10xf32>
    %dot_general3A_25 = arith.constant dense<0.000000e+00> : vector<1x10xf32>
    %dot_general3A_26 = tpu.matmul %add3A_21, %get3A_24, %dot_general3A_25 {dimension_numbers = #tpu.dot_dimension_numbers<[1], [0], [0], [1], [0, 0, 1, 1], [], []>, transpose_lhs_hint = false} : vector<1x128xf32>, vector<128x10xf32>, vector<1x10xf32> -> vector<1x10xf32>
    %get3A_27 = arith.constant 0 : index
    %get3A_28 = arith.constant 0 : index
    %get3A_29 = vector.load %arg6[%get3A_27, %get3A_28] : memref<1x10xf32, #tpu.memory_space<vmem>>, vector<1x10xf32>
    %add3A_30 = arith.addf %dot_general3A_26, %get3A_29 : vector<1x10xf32>
    %reduce_max3A = arith.constant dense<0xFF800000> : vector<1xf32>
    %reduce_max3A_31 = vector.multi_reduction <maximumf>, %add3A_30, %reduce_max3A [1] : vector<1x10xf32> to vector<1xf32>
    %broadcast_in_dim3A_32 = vector.shape_cast %reduce_max3A_31 : vector<1xf32> to vector<1x1xf32>
    %sub3A = vector.broadcast %broadcast_in_dim3A_32 : vector<1x1xf32> to vector<1x10xf32>
    %sub3A_33 = arith.subf %add3A_30, %sub3A : vector<1x10xf32>
    %exp3A = math.exp %sub3A_33 : vector<1x10xf32>
    %reduce_sum3A_34 = arith.constant dense<0.000000e+00> : vector<1xf32>
    %reduce_sum3A_35 = vector.multi_reduction <add>, %exp3A, %reduce_sum3A_34 [1] : vector<1x10xf32> to vector<1xf32>
    %broadcast_in_dim3A_36 = vector.shape_cast %reduce_sum3A_35 : vector<1xf32> to vector<1x1xf32>
    %div3A = vector.broadcast %broadcast_in_dim3A_36 : vector<1x1xf32> to vector<1x10xf32>
    %div3A_37 = arith.divf %exp3A, %div3A : vector<1x10xf32>
    %swap3A = arith.constant 0 : index
    %swap3A_38 = arith.constant 0 : index
    %swap3A_39 = vector.load %arg7[%swap3A, %swap3A_38] : memref<1x10xf32, #tpu.memory_space<vmem>>, vector<1x10xf32>
    tpu.vector_store %arg7[%swap3A, %swap3A_38], %div3A_37 {strides = array<i32>} : memref<1x10xf32, #tpu.memory_space<vmem>>, vector<1x10xf32>,
    return
  }
}

</mosaic_0001>

<sc_bundles>
// kernel: kernel.4.cloned.1.call-start
scs
__scs_entry_jumppad:
0x0: {  	(pc) =	sbr.rel $0x88, $3  }
0x1: {  	(tag) =	ssettag $0x0;
	lr =	simm.s32 $0x1  }
0x2: {  	[smem:$0x3F9B] =	sst lr;
	_ =	strace $0xD0000000  }
0x3: {  	_ = 	snop  }
0x4: {  	_ = 	snop  }
0x5: {  	_ = 	snop  }
0x6: {  	_ = 	snop  }
0x7: {  	_ = 	snop  }
__scs_overlays_trampoline_lowered:
0x8: {  	[smem:$0x3FAA] =	sst s0  }
0x9: {  	[smem:$0x3FAB] =	sst s1  }
0xa: {  	[smem:$0x3FAC] =	sst s2  }
0xb: {  	[smem:$0x3FAD] =	sst s3  }
0xc: {  	[smem:$0x3FAE] =	sst s4  }
0xd: {  	[smem:$0x3FAF] =	sst s5  }
0xe: {  	[smem:$0x3FB0] =	sst s6  }
0xf: {  	[smem:$0x3FB1] =	sst s7  }
0x10: {  	[smem:$0x3FB2] =	sst s8  }
0x11: {  	[smem:$0x3FB3] =	sst s9;
	s0 =	simm.s32 @!p0 $0x0  }
0x12: {  	s1 =	sld [smem:$0x3F99];
	s0 =	simm.s32 @p0 $0x1  }
0x13: {  	[smem:$0x3FB4] =	sst s0;
	s0 =	simm.s32 @!p1 $0x0  }
0x14: {  	s2 =	sld [smem:$0x3F98];
	s0 =	simm.s32 @p1 $0x1  }
0x15: {  	[smem:$0x3FB5] =	sst s0;
	s0 =	simm.s32 @!p2 $0x0  }
0x16: {  	s3 =	sld [smem:$0x3FDB];
	s0 =	simm.s32 @p2 $0x1  }
0x17: {  	s4 =	simm.s32 $0x1BF5;
	[smem:$0x3FB7] =	sst s0  }
0x18: {  	s0 =	sld [smem:$0x3F9A];
	_ =	swait.ge [sflag:s4], $0x0  }
0x19: {  	s7 =	sld [smem:$0x3F9B]  }
0x1a: {  	s8 =	sadd.s32 $0xFFFFE003, lr  }
0x1b: {  	s9 =	sadd.s32 $0xFFFFFEF7, lr;
	s5 =	simm.s32 $0xFFFFFFFF;
	p2 =	slt.u32 s8, $0xFFFFF086  }
0x1c: {  	p1 =	slt.u32 s9, $0xF7A;
	s5 =	simm.s32 @!p2 $0x0  }
0x1d: {  	s5 =	simm.s32 @p1 $0x1;
	p0 =	seq.s32 s7, s2  }
0x1e: {  	s7 =	smul.u32 @!p0 $0xF7A, s2;
	p2 =	seq.s32 @!p0 s5, $0x0  }
0x1f: {  	s9 =	smul.u32 $0xF7A, s1;
	s8 =	simm.s32 @!p0 $0x1BF5;
	p2 =	por !p2, p0  }
0x20: {  	[sflag:s8] =	ssyncset.s32 @!p0 $0xFFFFF086;
	s6 =	sadd.s32 @!p0 s3, s7;
	s7 =	simm.s32 @!p0 $0x108  }
0x21: {  	s3 =	sadd.s32 s3, s9;
	s6 =	sadd.s32 @!p0 $0x88, s6;
	s7 =	simm.s32 @p2 $0x1082  }
0x22: {  	[simem:s7], [sflag:s8] =	dma.local @!p0 [hbm:s6], $0xF7A  }
0x23: {  	s9 =	sor.u32 $0xD0000000, s2;
	s6 =	simm.s32 $0x108;
	_ =	swait.ge @!p0 [sflag:s8], $0x0  }
0x24: {  	s3 =	sadd.s32 $0x88, s3;
	s6 =	simm.s32 @!p1 $0x1082;
	[sflag:s4] =	ssyncset.s32 $0xFFFFF086  }
0x25: {  	[simem:s6], [sflag:s4] =	dma.local [hbm:s3], $0xF7A  }
0x26: {  	[smem:$0x3F9B] =	sst s1;
	(tag) =	ssettag s2;
	_ =	strace s9  }
0x27: {  	s1 =	sld [smem:$0x3FAB]  }
0x28: {  	s2 =	sld [smem:$0x3FAC]  }
0x29: {  	s4 =	sld [smem:$0x3FAE]  }
0x2a: {  	p0 =	seq.s32 s5, $0x0;
	s5 =	sld [smem:$0x3FAF]  }
0x2b: {  	s6 =	sld [smem:$0x3FB0]  }
0x2c: {  	s7 =	sld [smem:$0x3FB1]  }
0x2d: {  	s3 =	simm.s32 $0x108;
	s8 =	sld [smem:$0x3FB2]  }
0x2e: {  	s3 =	simm.s32 @!p0 $0x1082;
	s9 =	sld [smem:$0x3FB3]  }
0x2f: {  	lr =	sadd.s32 s0, s3;
	s0 =	sld [smem:$0x3FAA]  }
0x30: {  	s3 =	sld [smem:$0x3FAD]  }
0x31: {  	[smem:$0x3FB6] =	sst s10  }
0x32: {  	s10 =	sld [smem:$0x3FB4];
	_ =	sdelay $0x3  }
0x33: {  	p0 =	seq.s32 s10, $0x1;
	s10 =	sld [smem:$0x3FB6];
	_ =	sdelay $0x3  }
0x34: {  	[smem:$0x3FB6] =	sst s10  }
0x35: {  	s10 =	sld [smem:$0x3FB5];
	_ =	sdelay $0x3  }
0x36: {  	p1 =	seq.s32 s10, $0x1;
	s10 =	sld [smem:$0x3FB6];
	_ =	sdelay $0x3  }
0x37: {  	[smem:$0x3FB6] =	sst s10  }
0x38: {  	s10 =	sld [smem:$0x3FB7]  }
0x39: {  	_ = 	snop;
	(pc) =	sbr.ind lr, $3  }
0x3a: {  	_ = 	snop  }
0x3b: {  	_ = 	snop  }
0x3c: {  	p2 =	seq.s32 s10, $0x1;
	s10 =	sld [smem:$0x3FB6]  }
0x3d: {  	_ =	shalt  }
0x3e: {  	_ =	shalt  }
0x3f: {  	_ =	shalt  }
0x40: {  	_ =	shalt  }
0x41: {  	_ =	shalt  }
0x42: {  	_ =	shalt  }
0x43: {  	_ =	shalt  }
0x44: {  	_ =	shalt  }
0x45: {  	_ =	shalt  }
0x46: {  	_ =	shalt  }
0x47: {  	_ =	shalt  }
0x48: {  	_ =	shalt  }
0x49: {  	_ =	shalt  }
0x4a: {  	_ =	shalt  }
0x4b: {  	_ =	shalt  }
0x4c: {  	_ =	shalt  }
0x4d: {  	_ =	shalt  }
0x4e: {  	_ =	shalt  }
0x4f: {  	_ =	shalt  }
0x50: {  	_ =	shalt  }
0x51: {  	_ =	shalt  }
0x52: {  	_ =	shalt  }
0x53: {  	_ =	shalt  }
0x54: {  	_ =	shalt  }
0x55: {  	_ =	shalt  }
0x56: {  	_ =	shalt  }
0x57: {  	_ =	shalt  }
0x58: {  	_ =	shalt  }
0x59: {  	_ =	shalt  }
0x5a: {  	_ =	shalt  }
0x5b: {  	_ =	shalt  }
0x5c: {  	_ =	shalt  }
0x5d: {  	_ =	shalt  }
0x5e: {  	_ =	shalt  }
0x5f: {  	_ =	shalt  }
0x60: {  	_ =	shalt  }
0x61: {  	_ =	shalt  }
0x62: {  	_ =	shalt  }
0x63: {  	_ =	shalt  }
0x64: {  	_ =	shalt  }
0x65: {  	_ =	shalt  }
0x66: {  	_ =	shalt  }
0x67: {  	_ =	shalt  }
0x68: {  	_ =	shalt  }
0x69: {  	_ =	shalt  }
0x6a: {  	_ =	shalt  }
0x6b: {  	_ =	shalt  }
0x6c: {  	_ =	shalt  }
0x6d: {  	_ =	shalt  }
0x6e: {  	_ =	shalt  }
0x6f: {  	_ =	shalt  }
0x70: {  	_ =	shalt  }
0x71: {  	_ =	shalt  }
0x72: {  	_ =	shalt  }
0x73: {  	_ =	shalt  }
0x74: {  	_ =	shalt  }
0x75: {  	_ =	shalt  }
0x76: {  	_ =	shalt  }
0x77: {  	_ =	shalt  }
0x78: {  	_ =	shalt  }
0x79: {  	_ =	shalt  }
0x7a: {  	_ =	shalt  }
0x7b: {  	_ =	shalt  }
0x7c: {  	_ =	shalt  }
0x7d: {  	_ =	shalt  }
0x7e: {  	_ =	shalt  }
0x7f: {  	_ =	shalt  }
0x80: {  	_ =	shalt  }
0x81: {  	_ =	shalt  }
0x82: {  	_ =	shalt  }
0x83: {  	_ =	shalt  }
0x84: {  	_ =	shalt  }
0x85: {  	_ =	shalt  }
0x86: {  	_ =	shalt  }
0x87: {  	_ =	shalt  }
.Lfunc_end0:
.L_simem_size_0:
called_computation_lowered:
.L_overlay_start_0:
0x88: {  	s2 =	sld [smem:$0x3FD9]  }
0x89: {  	s3 =	sld [smem:$0x3FFE];
	_ =	sdelay $0x1  }
0x8a: {  	s1 =	srdreg.scid  }
0x8b: {  	s0 =	sand.u32 $0x1, s1  }
0x8c: {  	s17 =	sshll.u32 s0, $0xA;
	s2 =	sadd.s32 s3, s2  }
0x8d: {  	s2 =	sadd.s32 s2, s17  }
0x8e: {  	[smem:$0x3FC2] =	sst s2  }
0x8f: {  	_ = 	snop  }
0x90: {  	s2 =	sld [smem:$0x3FC8];
	(tm) =	ssettm $0x1  }
0x91: {  	s18 =	sld [smem:$0x3FFB];
	_ =	sdelay $0x3  }
0x92: {  	_ =	strace s18  }
0x93: {  	s3 =	sld [smem:$0x3FFC];
	_ =	sdelay $0x3  }
0x94: {  	_ =	strace s3  }
0x95: {  	s3 =	sld [smem:$0x3FFD];
	_ =	sdelay $0x3  }
0x96: {  	_ =	strace s3  }
0x97: {  	_ =	strace $0x8FFFFFFF  }
0x98: {  	s19 =	sld [smem:$0x3FDB];
	_ =	sdelay $0x1  }
0x99: {  	s4 =	simm.s32 $_scs_section_size  }
0x9a: {  	s5 =	simm.s32 $_size__tile_overlayer_lowered;
	s6 =	simm.s32 $_tile_overlayer_lowered  }
0x9b: {  	s22 =	simm.s32 $0x1BFF;
	s21 =	sshll.u32 s6, $0x1;
	s3 =	sadd.s32 s4, s19  }
0x9c: {  	s7 =	simm.s32 $0x0;
	s20 =	sshll.u32 s5, $0x1;
	s5 =	sadd.s32 s21, s3  }
0x9d: {  	[timem:s7], [sflag:s22] =	dma.local [hbm:s5], s20  }
0x9e: {  	_ =	swait.ge [sflag:s22], s20  }
0x9f: {  	s4 =	ssub.s32 $0x0, s20;
	[sflag:s22] =	ssyncset.done $0x0  }
0xa0: {  	[sflag:s22] =	ssyncadd.s32 s4;
	_ =	sdelay $0x1  }
0xa1: {  	s23 =	simm.s32 $0x1B8B  }
0xa2: {  	_ =	swait.ge [sflag:s23], $0x1  }
0xa3: {  	[sflag:s23] =	ssyncset.done $0x0  }
0xa4: {  	s25 =	simm.s32 $0x1B8E;
	s24 =	sld [smem:$0x3FFE];
	[sflag:s23] =	ssyncadd.s32 $0xFFFFFFFF  }
0xa5: {  	s26 =	simm.s32 $execute0_lowered;
	[smem:$0x3FD2] =	sst s25  }
0xa6: {  	s5 =	sshll.u32 s26, $0x1;
	_ =	strace $0x80000046;
	[dreg:$0x1] =	wrdreg $0xFFFFFFFF  }
0xa7: {  	s28 =	simm.s32 $_size_execute0_lowered;
	s3 =	sadd.s32 s3, s5;
	[dreg:$0x0] =	wrdreg $0x0  }
0xa8: {  	s5 =	sshll.u32 s28, $0x1;
	[dreg:$0x2] =	wrdreg s3  }
0xa9: {  	[dreg:$0x3] =	wrdreg s5  }
0xaa: {  	[dreg:$0x4] =	wrdreg $0xC0  }
0xab: {  	_ =	task [dreg:s7], $0x5FFFF  }
0xac: {  	[dreg:$0x1] =	wrdreg $0xFFFFFFFF  }
0xad: {  	[dreg:$0x0] =	wrdreg $0x60  }
0xae: {  	[dreg:$0x2] =	wrdreg s2  }
0xaf: {  	[dreg:$0x3] =	wrdreg s24  }
0xb0: {  	[dreg:$0x4] =	wrdreg $0x142800  }
0xb1: {  	[dreg:$0x5] =	wrdreg $0x16A800  }
0xb2: {  	[dreg:$0x6] =	wrdreg $0x9  }
0xb3: {  	_ =	task.clear_ibuf [dreg:s7], $0x7FFFF;
	_ =	strace $0x90000046  }
0xb4: {  	s29 =	simm.s32 $0x9;
	_ =	strace $0x80000048  }
0xb5: {  	_ =	swait.ge [sflag:s29], $0x1  }
0xb6: {  	[sflag:s29] =	ssyncadd.s32 $0xFFFFFFFF  }
0xb7: {  	_ =	strace $0x90000048  }
0xb8: {  	_ =	sfence  }
0xb9: {  	s30 =	sld [smem:$0x0];
	_ =	sdelay $0x2  }
0xba: {  	s31 =	sshll.u32 s1, $0xD;
	s1 =	sshrl.u32 s1, $0x2  }
0xbb: {  	s3 =	sand.u32 $0x4000, s31;
	s1 =	sadd.s32 s1, s30  }
0xbc: {  	s0 =	sor.u32 s3, s0;
	s1 =	sshll.u32 s1, $0x11  }
0xbd: {  	s0 =	sor.u32 s1, s0  }
0xbe: {  	s0 =	sadd.s32 $0x8F2B, s0  }
0xbf: {  	[sflag:s0] =	ssyncadd.remote.s32 $0x1  }
0xc0: {  	_ =	sfence.sel $0xFFFF  }
0xc1: {  	[dreg:$0x0] =	wrdreg $0xFFFFFFFF;
	(pc) =	sbr.abs _section_cstart, $3  }
0xc2: {  	[dreg:$0x1] =	wrdreg $0xFFFFFFFF  }
0xc3: {  	_ =	task.clear_ibuf [dreg:s7], $0x2FFFF;
	_ =	strace $0x9FFFFFFF  }
0xc4: {  	(tm) =	ssettm $0x7FFFFFFF  }
0xc5: {  	_ =	shalt  }
tec
execute0_lowered:
.L_overlay_start_1:
0x0: {  	(tag) =	ssettag $0x1  }
0x1: {  	s4 =	srdreg.scid  }
0x2: {  	s4 =	sand.u32 $0x1, s4  }
0x3: {  	s0 =	rddreg [dreg:$0x0];
	p0 =	seq.s32 s4, $0x1  }
.Ltmp0:
0x4: {  	s2 =	rddreg [dreg:$0x1];
	(pc) =	sbr.rel @p0 .LBB2_10-.Ltmp0, $4  }
0x5: {  	s1 =	rddreg [dreg:$0x2]  }
0x6: {  	s9 =	rddreg [dreg:$0x3];
	s3 =	simm.s32 $0x0  }
0x7: {  	[smem:$0x7FF] =	sst s3  }
0x8: {  	s5 =	rddreg [dreg:$0x4];
	s23 =	stileid.u32;
	_ =	strace $0x80000047  }
0x9: {  	s4 =	smul.u32 $0x1380, s23;
	_ =	sdelay $0x1  }
0xa: {  	s20 =	simm.s32 $0xA080;
	s0 =	sadd.s32 s0, s4  }
0xb: {  	v0 =	vimm.f32 $0.0e+00;
	[tilespmem:s3], [sflag:$0x1] =	stream.linear.gather [hbm4b:s0+s3], $0xA000, $0x38;
	[tilespmem:$0x16D00] =	vst v63  }
0xc: {  	[tilespmem:s20+$0xFFFFFF90] =	vst v0  }
0xd: {  	[tilespmem:s20+$0xFFFFFFA0] =	vst v0  }
0xe: {  	[tilespmem:s20+$0xFFFFFFB0] =	vst v0  }
0xf: {  	[tilespmem:s20+$0xFFFFFFC0] =	vst v0  }
0x10: {  	[tilespmem:s20+$0xFFFFFFD0] =	vst v0  }
0x11: {  	[tilespmem:s20+$0xFFFFFFE0] =	vst v0  }
0x12: {  	[tilespmem:s20+$0xFFFFFFF0] =	vst v0  }
0x13: {  	[tilespmem:s20+$0x0] =	vst v0  }
0x14: {  	[tilespmem:s20+$0x10] =	vst v0  }
0x15: {  	[tilespmem:s20+$0x20] =	vst v0  }
0x16: {  	[tilespmem:s20+$0x30] =	vst v0  }
0x17: {  	[tilespmem:s20+$0x40] =	vst v0  }
0x18: {  	[tilespmem:s20+$0x50] =	vst v0  }
0x19: {  	[tilespmem:s20+$0x60] =	vst v0  }
0x1a: {  	s0 =	simm.s32 $0xC880;
	[tilespmem:s20+$0x70] =	vst v0  }
0x1b: {  	[tilespmem:s0+$0xFFFFFF90] =	vst v0  }
0x1c: {  	[tilespmem:s0+$0xFFFFFFA0] =	vst v0  }
0x1d: {  	[tilespmem:s0+$0xFFFFFFB0] =	vst v0  }
0x1e: {  	[tilespmem:s0+$0xFFFFFFC0] =	vst v0  }
0x1f: {  	[tilespmem:s0+$0xFFFFFFD0] =	vst v0  }
0x20: {  	[tilespmem:s0+$0xFFFFFFE0] =	vst v0  }
0x21: {  	[tilespmem:s0+$0xFFFFFFF0] =	vst v0  }
0x22: {  	[tilespmem:s0+$0x0] =	vst v0  }
0x23: {  	[tilespmem:s0+$0x10] =	vst v0  }
0x24: {  	[tilespmem:s0+$0x20] =	vst v0  }
0x25: {  	[tilespmem:s0+$0x30] =	vst v0  }
0x26: {  	s24 =	sshrl.u32 s23, $0x3;
	s6 =	smul.u32 $0x280, s23;
	[tilespmem:s0+$0x40] =	vst v0  }
0x27: {  	s5 =	sshll.u32 s23, $0x7;
	s4 =	smul.u32 $0x14000, s24;
	[tilespmem:s0+$0x50] =	vst v0  }
0x28: {  	s8 =	smul.u32 $0x5000, s23;
	s5 =	sand.u32 $0x380, s5;
	s7 =	sshrl.u32 s6, $0x3;
	[tilespmem:s0+$0x60] =	vst v0  }
0x29: {  	s29 =	sadd.s32 s6, s9;
	s25 =	sadd.s32 s7, s2;
	s4 =	sor.u32 s5, s4;
	[tilespmem:s0+$0x70] =	vst v0  }
0x2a: {  	s30 =	sadd.s32 $0x6600, s25;
	s5 =	sshrl.u32 s4, $0x3;
	[dreg:$0xf] =	wrdreg s29  }
0x2b: {  	s5 =	sadd.s32 s5, s2;
	[dreg:$0xe] =	wrdreg s30  }
0x2c: {  	s26 =	sshll.u32 s23, $0x5;
	s28 =	sshrl.u32 s8, $0x2;
	[tilespmem:s20+$0xFFFFFF80] =	vst v0;
	s31 =	sadd.s32 $0x1600, s5  }
0x2d: {  	s18 =	sadd.s32 $0x90, s26;
	s22 =	sadd.s32 s28, s1;
	[dreg:$0xc] =	wrdreg s31  }
0x2e: {  	s21 =	sadd.s32 s4, s1;
	s1 =	simm.s32 $0x0;
	s2 =	simm.s32 $0xA180;
	[tilespmem:s0+$0xFFFFFF80] =	vst v0  }
.LBB2_2:
0x2f: {  	[tilespmem:s2+$0xFFFFFF90] =	vst v0;
	s0 =	sadd.s32 $0x100, s0  }
0x30: {  	[tilespmem:s0+$0xFFFFFF90] =	vst v0  }
0x31: {  	[tilespmem:s2+$0xFFFFFFA0] =	vst v0  }
0x32: {  	[tilespmem:s0+$0xFFFFFFA0] =	vst v0  }
0x33: {  	[tilespmem:s2+$0xFFFFFFB0] =	vst v0  }
0x34: {  	[tilespmem:s0+$0xFFFFFFB0] =	vst v0  }
0x35: {  	[tilespmem:s2+$0xFFFFFFC0] =	vst v0  }
0x36: {  	[tilespmem:s0+$0xFFFFFFC0] =	vst v0  }
0x37: {  	[tilespmem:s2+$0xFFFFFFD0] =	vst v0  }
0x38: {  	[tilespmem:s0+$0xFFFFFFD0] =	vst v0  }
0x39: {  	[tilespmem:s2+$0xFFFFFFE0] =	vst v0  }
0x3a: {  	[tilespmem:s0+$0xFFFFFFE0] =	vst v0  }
0x3b: {  	[tilespmem:s2+$0xFFFFFFF0] =	vst v0  }
0x3c: {  	[tilespmem:s0+$0xFFFFFFF0] =	vst v0  }
0x3d: {  	[tilespmem:s2+$0x0] =	vst v0  }
0x3e: {  	[tilespmem:s0+$0x0] =	vst v0  }
0x3f: {  	[tilespmem:s2+$0x10] =	vst v0  }
0x40: {  	[tilespmem:s0+$0x10] =	vst v0  }
0x41: {  	[tilespmem:s2+$0x20] =	vst v0  }
0x42: {  	[tilespmem:s0+$0x20] =	vst v0  }
0x43: {  	[tilespmem:s2+$0x30] =	vst v0  }
0x44: {  	[tilespmem:s0+$0x30] =	vst v0  }
0x45: {  	[tilespmem:s2+$0x40] =	vst v0  }
0x46: {  	[tilespmem:s0+$0x40] =	vst v0  }
0x47: {  	[tilespmem:s2+$0x50] =	vst v0  }
0x48: {  	s1 =	sadd.s32 $0x10, s1;
	[tilespmem:s0+$0x50] =	vst v0  }
0x49: {  	p0 =	slt.u32 s1, $0x270;
	[tilespmem:s2+$0x60] =	vst v0  }
.Ltmp1:
0x4a: {  	[tilespmem:s0+$0x60] =	vst v0;
	(pc) =	sbr.rel @p0 .LBB2_2-.Ltmp1, $4  }
0x4b: {  	[tilespmem:s2+$0x70] =	vst v0  }
0x4c: {  	[tilespmem:s0+$0x70] =	vst v0  }
0x4d: {  	[tilespmem:s2+$0xFFFFFF80] =	vst v0  }
0x4e: {  	s2 =	sadd.s32 $0x100, s2;
	[tilespmem:s0+$0xFFFFFF80] =	vst v0  }
0x4f: {  	s1 =	sshll.u32 s23, $0x6  }
0x50: {  	s19 =	sadd.s32 $0x120, s1  }
0x51: {  	s0 =	simm.s32 $0x1;
	s28 =	sadd.s32 $0xFFFFFFF0, s18;
	s2 =	sadd.s32 $0xFFFFFFE0, s19  }
0x52: {  	_ =	swait.ge [sflag:s0], $0xA000;
	s1 =	sand.u32 $0x60, s28;
	s3 =	sand.u32 $0x3FF00, s2  }
0x53: {  	[sflag:s0] =	ssyncset.done $0x0;
	s5 =	sor.u32 s1, s3  }
0x54: {  	[sflag:s0] =	ssyncadd.s32 $0xFFFF6000;
	[dreg:$0x11] =	wrdreg s5  }
0x55: {  	v1 =	vld [tilespmem:s5+$0x80];
	_ =	sdelay $0x1  }
0x56: {  	s30 =	sadd.s32 $0xFFFFFF80, s18;
	s31 =	sadd.s32 $0xFFFFFF90, s18  }
0x57: {  	s7 =	sadd.s32 $0xFFFFFFA0, s18;
	s9 =	sadd.s32 $0xFFFFFFB0, s18;
	s11 =	sadd.s32 $0xFFFFFFC0, s18  }
0x58: {  	s13 =	sadd.s32 $0xFFFFFFD0, s18;
	s15 =	sadd.s32 $0xFFFFFFE0, s18;
	s16 =	sadd.s32 $0xFFFFFF70, s18  }
0x59: {  	s16 =	sand.u32 $0x60, s16;
	s7 =	sand.u32 $0x70, s7;
	s29 =	sadd.s32 $0xFFFFFEE0, s19  }
0x5a: {  	s4 =	sadd.s32 $0xFFFFFF00, s19;
	s6 =	sadd.s32 $0xFFFFFF20, s19;
	s8 =	sadd.s32 $0xFFFFFF40, s19  }
0x5b: {  	v0 =	vimm.f32 $1.000000000e+00;
	s0 =	simm.s32 $0xA000;
	s4 =	sand.u32 $0x1FF00, s4;
	s1 =	sand.u32 $0x1FF00, s29  }
0x5c: {  	s6 =	sand.u32 $0x3FF00, s6;
	s3 =	sand.u32 $0x70, s30;
	s16 =	sor.u32 s16, s1;
	[tilespmem:v1+s0+$0x0] =	vst.idx.add.f32.msk $0xffff, v0  }
0x5d: {  	s23 =	sor.u32 s3, s4;
	s5 =	sand.u32 $0x60, s31;
	[dreg:$0x18] =	wrdreg s16  }
0x5e: {  	s8 =	sand.u32 $0x3FF00, s8;
	s6 =	sor.u32 s5, s6;
	v1 =	vld [tilespmem:s16+$0x80];
	[dreg:$0x19] =	wrdreg s23  }
0x5f: {  	s9 =	sand.u32 $0x60, s9;
	s29 =	sor.u32 s7, s8;
	v2 =	vld [tilespmem:s23+$0x80];
	[dreg:$0x1a] =	wrdreg s6  }
0x60: {  	s24 =	sand.u32 $0x60, s13;
	s14 =	sadd.s32 $0xFFFFFFA0, s19;
	v3 =	vld [tilespmem:s6+$0x80];
	[dreg:$0x1b] =	wrdreg s29  }
0x61: {  	s26 =	sand.u32 $0x70, s15;
	s25 =	sand.u32 $0x3FF00, s14;
	v5 =	vld [tilespmem:s29+$0x80];
	[dreg:$0x12] =	wrdreg s24  }
0x62: {  	s10 =	sadd.s32 $0xFFFFFF60, s19;
	s17 =	sadd.s32 $0xFFFFFFC0, s19;
	[dreg:$0x13] =	wrdreg s25  }
0x63: {  	s10 =	sand.u32 $0x3FF00, s10;
	s28 =	sand.u32 $0x3FF00, s17;
	[dreg:$0x14] =	wrdreg s26  }
0x64: {  	s11 =	sand.u32 $0x70, s11;
	s9 =	sor.u32 s9, s10;
	[dreg:$0x15] =	wrdreg s28  }
0x65: {  	s12 =	sadd.s32 $0xFFFFFF80, s19;
	s30 =	sand.u32 $0x70, s18;
	[dreg:$0x1c] =	wrdreg s9  }
0x66: {  	s20 =	sand.u32 $0x3FF00, s12;
	s31 =	sand.u32 $0x3FF00, s19;
	v6 =	vld [tilespmem:s9+$0x80];
	[dreg:$0x16] =	wrdreg s30  }
0x67: {  	s1 =	sor.u32 s11, s20;
	[dreg:$0x17] =	wrdreg s31  }
0x68: {  	s2 =	simm.s32 $0x0;
	s3 =	sadd.s32 $0xA0, s18;
	[dreg:$0x1d] =	wrdreg s1  }
0x69: {  	s5 =	sor.u32 s26, s28;
	s4 =	sor.u32 s30, s31;
	v4 =	vld [tilespmem:s1+$0x80];
	[dreg:$0x10] =	wrdreg s19  }
0x6a: {  	s6 =	sor.u32 s24, s25;
	s1 =	sadd.s32 $0x140, s19;
	[dreg:$0xd] =	wrdreg s18  }
.LBB2_4:
0x6b: {  	s7 =	sadd.s32 $0xFFFFFFF0, s3  }
0x6c: {  	s8 =	sadd.s32 $0xFFFFFFE0, s1;
	s2 =	sadd.s32 $0xA, s2;
	v7 =	vld [tilespmem:s6+$0x80];
	s9 =	sadd.s32 $0xFFFFFF20, s1  }
0x6d: {  	s6 =	sand.u32 $0x60, s7;
	s7 =	sand.u32 $0x3FF00, s8;
	p0 =	slt.u32 s2, $0x4D8;
	v8 =	vld [tilespmem:s5+$0x80]  }
0x6e: {  	s5 =	sadd.s32 $0xFFFFFEE0, s1;
	s8 =	sadd.s32 $0xFFFFFF80, s3;
	s6 =	sor.u32 s6, s7;
	v9 =	vld [tilespmem:s4+$0x80]  }
0x6f: {  	s10 =	sadd.s32 $0xFFFFFF40, s1;
	s4 =	sadd.s32 $0xFFFFFF00, s1;
	s7 =	sadd.s32 $0xFFFFFF90, s3;
	v10 =	vld [tilespmem:s6+$0x80]  }
0x70: {  	s11 =	sadd.s32 $0xFFFFFFB0, s3;
	s12 =	sadd.s32 $0xFFFFFF60, s1;
	s6 =	sadd.s32 $0xFFFFFFA0, s3;
	[tilespmem:v1+s0+$0x0] =	vst.idx.add.f32.msk $0xffff, v0  }
0x71: {  	s13 =	sadd.s32 $0xFFFFFFC0, s3;
	s14 =	sadd.s32 $0xFFFFFF80, s1;
	s15 =	sadd.s32 $0xFFFFFFD0, s3;
	[tilespmem:v2+s0+$0x0] =	vst.idx.add.f32.msk $0xffff, v0  }
0x72: {  	s16 =	sadd.s32 $0xFFFFFFA0, s1;
	s17 =	sadd.s32 $0xFFFFFFE0, s3;
	s18 =	sadd.s32 $0xFFFFFF70, s3;
	[tilespmem:v3+s0+$0x0] =	vst.idx.add.f32.msk $0xffff, v0  }
0x73: {  	s19 =	sadd.s32 $0xFFFFFFC0, s1;
	s20 =	sand.u32 $0x3FF00, s1;
	s5 =	sand.u32 $0x1FF00, s5;
	[tilespmem:v5+s0+$0x0] =	vst.idx.add.f32.msk $0xffff, v0  }
0x74: {  	s18 =	sand.u32 $0x60, s18;
	s8 =	sand.u32 $0x70, s8;
	s4 =	sand.u32 $0x1FF00, s4;
	[tilespmem:v6+s0+$0x0] =	vst.idx.add.f32.msk $0xffff, v0  }
0x75: {  	s9 =	sand.u32 $0x3FF00, s9;
	s7 =	sand.u32 $0x60, s7;
	s6 =	sand.u32 $0x70, s6;
	[tilespmem:v4+s0+$0x0] =	vst.idx.add.f32.msk $0xffff, v0  }
0x76: {  	s10 =	sand.u32 $0x3FF00, s10;
	s11 =	sand.u32 $0x60, s11;
	s12 =	sand.u32 $0x3FF00, s12;
	[tilespmem:v7+s0+$0x0] =	vst.idx.add.f32.msk $0xffff, v0  }
0x77: {  	s13 =	sand.u32 $0x70, s13;
	s14 =	sand.u32 $0x3FF00, s14;
	s15 =	sand.u32 $0x60, s15;
	[tilespmem:v10+s0+$0x0] =	vst.idx.add.f32.msk $0xffff, v0  }
0x78: {  	s16 =	sand.u32 $0x3FF00, s16;
	s17 =	sand.u32 $0x70, s17;
	s19 =	sand.u32 $0x3FF00, s19;
	[tilespmem:v8+s0+$0x0] =	vst.idx.add.f32.msk $0xffff, v0  }
0x79: {  	s5 =	sor.u32 s18, s5;
	s18 =	sand.u32 $0x70, s3;
	s4 =	sor.u32 s8, s4;
	[tilespmem:v9+s0+$0x0] =	vst.idx.add.f32.msk $0xffff, v0  }
0x7a: {  	s8 =	sor.u32 s11, s12;
	v1 =	vld [tilespmem:s5+$0x80];
	s5 =	sor.u32 s7, s9;
	s7 =	sor.u32 s6, s10  }
.Ltmp2:
0x7b: {  	s9 =	sor.u32 s13, s14;
	s6 =	sor.u32 s15, s16;
	v2 =	vld [tilespmem:s4+$0x80];
	(pc) =	sbr.rel @p0 .LBB2_4-.Ltmp2, $4  }
0x7c: {  	s4 =	sor.u32 s18, s20;
	v3 =	vld [tilespmem:s5+$0x80];
	s5 =	sor.u32 s17, s19  }
0x7d: {  	v5 =	vld [tilespmem:s7+$0x80]  }
0x7e: {  	v6 =	vld [tilespmem:s8+$0x80]  }
0x7f: {  	s1 =	sadd.s32 $0x140, s1;
	s3 =	sadd.s32 $0xA0, s3;
	v4 =	vld [tilespmem:s9+$0x80]  }
0x80: {  	_ = 	snop  }
0x81: {  	v7 =	vld [tilespmem:s6+$0x80]  }
0x82: {  	v8 =	vld [tilespmem:s5+$0x80]  }
0x83: {  	v9 =	vld [tilespmem:s4+$0x80]  }
0x84: {  	[tilespmem:v1+s0+$0x0] =	vst.idx.add.f32.msk $0xffff, v0  }
0x85: {  	[tilespmem:v2+s0+$0x0] =	vst.idx.add.f32.msk $0xffff, v0  }
0x86: {  	[tilespmem:v3+s0+$0x0] =	vst.idx.add.f32.msk $0xffff, v0  }
0x87: {  	[tilespmem:v5+s0+$0x0] =	vst.idx.add.f32.msk $0xffff, v0  }
0x88: {  	[tilespmem:v6+s0+$0x0] =	vst.idx.add.f32.msk $0xffff, v0  }
0x89: {  	[tilespmem:v4+s0+$0x0] =	vst.idx.add.f32.msk $0xffff, v0  }
0x8a: {  	[tilespmem:v7+s0+$0x0] =	vst.idx.add.f32.msk $0xffff, v0  }
0x8b: {  	s16 =	simm.s32 $0x80;
	[tilespmem:v8+s0+$0x0] =	vst.idx.add.f32.msk $0xffff, v0  }
0x8c: {  	s1 =	simm.s32 $0x400;
	s2 =	simm.s32 $0xA000;
	s17 =	simm.s32 $0x2;
	[tilespmem:v9+s0+$0x0] =	vst.idx.add.f32.msk $0xffff, v0  }
0x8d: {  	[spmem:s21] =	stream.strided.scatter [tilespmem:s2], [sflag:$0x2], $0x2800, s1, s16, $0x38;
	[tilespmem:$0x16D00] =	vst v63  }
0x8e: {  	_ =	swait.ge [sflag:s17], $0x2800  }
0x8f: {  	[sflag:s17] =	ssyncset.done $0x0  }
0x90: {  	s18 =	simm.s32 $0x1400;
	s3 =	simm.s32 $0x14000;
	[sflag:s17] =	ssyncadd.s32 $0xFFFFD800  }
0x91: {  	s19 =	simm.s32 $0x11800;
	s28 =	simm.s32 $0x0;
	[bflag:$0x0] =	sbarrier.arrive $0xFFFF  }
0x92: {  	[tilespmem:s19], [sflag:$0x2] =	stream.strided.gather [spmem:s22], $0x2800, s3, s18, $0x38;
	[tilespmem:$0x16D00] =	vst v63  }
0x93: {  	s20 =	sand.u32 $0x1C00, s28;
	s0 =	sand.u32 $0x40, s28;
	_ =	swait.ge [sflag:s17], $0x2800  }
0x94: {  	s21 =	sadd.s32 $0x11800, s20;
	s25 =	sor.u32 $0x30, s0;
	[sflag:s17] =	ssyncset.done $0x0  }
0x95: {  	s22 =	sor.u32 s25, s21;
	[sflag:s17] =	ssyncadd.s32 $0xFFFFD800  }
0x96: {  	v0 =	vld [tilespmem:s22+$0x0]  }
0x97: {  	s23 =	sor.u32 s0, s21;
	v1 =	vld [tilespmem:s22+$0x80]  }
0x98: {  	v2 =	vld [tilespmem:s23+$0x0]  }
0x99: {  	v3 =	vld [tilespmem:s22+$0x100]  }
0x9a: {  	s26 =	sor.u32 $0x10, s0;
	v4 =	vld [tilespmem:s23+$0x80]  }
0x9b: {  	s7 =	sor.u32 s26, s21;
	v5 =	vld [tilespmem:s22+$0x180]  }
0x9c: {  	v6 =	vld [tilespmem:s7+$0x0]  }
0x9d: {  	v7 =	vld [tilespmem:s22+$0x200]  }
0x9e: {  	s29 =	sor.u32 $0x20, s0;
	v8 =	vld [tilespmem:s7+$0x80]  }
0x9f: {  	s8 =	sor.u32 s29, s21;
	v9 =	vld [tilespmem:s22+$0x280]  }
0xa0: {  	v10 =	vld [tilespmem:s8+$0x0]  }
0xa1: {  	v11 =	vld [tilespmem:s22+$0x300]  }
0xa2: {  	v12 =	vld [tilespmem:s8+$0x80]  }
0xa3: {  	s9 =	sadd.s32 $0x12C00, s20;
	v13 =	vld [tilespmem:s22+$0x380]  }
0xa4: {  	s24 =	sor.u32 s25, s9;
	v14 =	vld [tilespmem:s23+$0x100]  }
0xa5: {  	s10 =	sadd.s32 $0x12C80, s20;
	v15 =	vld [tilespmem:s24+$0x0]  }
0xa6: {  	s30 =	sor.u32 s25, s10;
	v16 =	vld [tilespmem:s7+$0x100]  }
0xa7: {  	s11 =	sadd.s32 $0x12D00, s20;
	v17 =	vld [tilespmem:s30+$0x0]  }
0xa8: {  	s31 =	sor.u32 s25, s11;
	v18 =	vld [tilespmem:s8+$0x100]  }
0xa9: {  	s12 =	sadd.s32 $0x12D80, s20;
	v19 =	vld [tilespmem:s31+$0x0]  }
0xaa: {  	s2 =	sor.u32 s25, s12;
	v20 =	vld [tilespmem:s23+$0x180]  }
0xab: {  	s3 =	sadd.s32 $0x12E00, s20;
	v21 =	vld [tilespmem:s2+$0x0]  }
0xac: {  	s14 =	sor.u32 s25, s3;
	v22 =	vld [tilespmem:s7+$0x180]  }
0xad: {  	s15 =	sadd.s32 $0x12E80, s20;
	v23 =	vld [tilespmem:s14+$0x0]  }
0xae: {  	s16 =	sor.u32 s25, s15;
	v24 =	vld [tilespmem:s8+$0x180]  }
0xaf: {  	v25 =	vld [tilespmem:s16+$0x0]  }
0xb0: {  	s1 =	sadd.s32 $0x12F80, s20;
	v26 =	vld [tilespmem:s23+$0x200]  }
0xb1: {  	s5 =	sor.u32 s25, s1;
	v28 =	vld [tilespmem:s7+$0x200]  }
0xb2: {  	v29 =	vld [tilespmem:s5+$0x0]  }
0xb3: {  	v30 =	vld [tilespmem:s8+$0x200]  }
0xb4: {  	v31 =	vld [tilespmem:s23+$0x280]  }
0xb5: {  	v32 =	vld [tilespmem:s8+$0x280]  }
0xb6: {  	v33 =	vld [tilespmem:s7+$0x300]  }
0xb7: {  	v34 =	vld [tilespmem:s23+$0x380]  }
0xb8: {  	s19 =	sor.u32 s26, s9;
	v35 =	vld [tilespmem:s8+$0x380]  }
0xb9: {  	s18 =	sor.u32 s0, s9;
	s21 =	sor.u32 s0, s10;
	v36 =	vld [tilespmem:s19+$0x0];
	v0 =	vadd.f32 v1, v0  }
0xba: {  	s17 =	sadd.s32 $0x12F00, s20;
	s20 =	sor.u32 s29, s9;
	s9 =	sor.u32 s29, s12;
	v37 =	vld [tilespmem:s21+$0x0]  }
0xbb: {  	s4 =	sor.u32 s29, s3;
	v41 =	vld [tilespmem:s9+$0x0];
	v0 =	vadd.f32 v3, v0  }
0xbc: {  	s13 =	sor.u32 s25, s17;
	v57 =	vld [tilespmem:s4+$0x0]  }
0xbd: {  	s22 =	sor.u32 s26, s10;
	v27 =	vld [tilespmem:s13+$0x0];
	v0 =	vadd.f32 v5, v0  }
0xbe: {  	s24 =	sor.u32 s0, s11;
	v52 =	vld [tilespmem:s22+$0x0]  }
0xbf: {  	s30 =	sor.u32 s26, s11;
	v53 =	vld [tilespmem:s24+$0x0];
	v0 =	vadd.f32 v7, v0  }
0xc0: {  	s31 =	sor.u32 s29, s11;
	v39 =	vld [tilespmem:s30+$0x0]  }
0xc1: {  	s11 =	sor.u32 s26, s3;
	v54 =	vld [tilespmem:s31+$0x0];
	v0 =	vadd.f32 v9, v0  }
0xc2: {  	s14 =	sor.u32 s0, s17;
	v42 =	vld [tilespmem:s11+$0x0]  }
0xc3: {  	s2 =	sor.u32 s29, s17;
	v58 =	vld [tilespmem:s14+$0x0];
	v0 =	vadd.f32 v11, v0  }
0xc4: {  	s16 =	sor.u32 s0, s1;
	v60 =	vld [tilespmem:s2+$0x0]  }
0xc5: {  	v61 =	vld [tilespmem:s16+$0x0];
	v0 =	vadd.f32 v13, v0  }
0xc6: {  	s13 =	sor.u32 s26, s15;
	v1 =	vld [tilespmem:s7+$0x280]  }
0xc7: {  	v2 =	vadd.f32 v4, v2;
	v4 =	vld [tilespmem:s13+$0x0];
	v0 =	vadd.f32 v15, v0  }
0xc8: {  	v3 =	vld [tilespmem:s23+$0x300];
	s23 =	sor.u32 s29, s10  }
0xc9: {  	s10 =	sor.u32 s0, s3;
	v38 =	vld [tilespmem:s23+$0x0];
	v0 =	vadd.f32 v17, v0  }
0xca: {  	v6 =	vadd.f32 v8, v6;
	s3 =	sor.u32 s29, s15;
	v56 =	vld [tilespmem:s10+$0x0]  }
0xcb: {  	v8 =	vadd.f32 v12, v10;
	v10 =	vld [tilespmem:s3+$0x0];
	v0 =	vadd.f32 v19, v0  }
0xcc: {  	v5 =	vld [tilespmem:s8+$0x300];
	s8 =	sor.u32 s26, s12  }
0xcd: {  	v55 =	vld [tilespmem:s8+$0x0];
	v0 =	vadd.f32 v21, v0  }
0xce: {  	v2 =	vadd.f32 v14, v2;
	v7 =	vld [tilespmem:s7+$0x380];
	s7 =	sor.u32 s0, s12  }
0xcf: {  	v6 =	vadd.f32 v16, v6;
	s12 =	sor.u32 s0, s15;
	v40 =	vld [tilespmem:s7+$0x0];
	v0 =	vadd.f32 v23, v0  }
0xd0: {  	v8 =	vadd.f32 v18, v8;
	v2 =	vadd.f32 v20, v2;
	s15 =	sor.u32 s26, s17;
	v43 =	vld [tilespmem:s12+$0x0]  }
0xd1: {  	v6 =	vadd.f32 v22, v6;
	v59 =	vld [tilespmem:s15+$0x0];
	v0 =	vadd.f32 v25, v0  }
0xd2: {  	s30 =	simm.s32 $0x40;
	v8 =	vadd.f32 v24, v8;
	s17 =	simm.s32 $0x200;
	v2 =	vadd.f32 v26, v2;
	v9 =	vld [tilespmem:s18+$0x0];
	s18 =	sor.u32 s26, s1  }
0xd3: {  	s31 =	sand.u32 $0x40, s30;
	v6 =	vadd.f32 v28, v6;
	s0 =	sand.u32 $0x1C00, s17;
	s1 =	sor.u32 s29, s1;
	v62 =	vld [tilespmem:s18+$0x0];
	v0 =	vadd.f32 v27, v0  }
0xd4: {  	s22 =	sor.u32 $0x30, s31;
	v8 =	vadd.f32 v30, v8;
	s4 =	sadd.s32 $0x11800, s0;
	v2 =	vadd.f32 v31, v2;
	v63 =	vld [tilespmem:s1+$0x0]  }
0xd5: {  	v1 =	vadd.f32 v1, v6;
	s19 =	sor.u32 s22, s4;
	v11 =	vld [tilespmem:s20+$0x0];
	v0 =	vadd.f32 v29, v0  }
0xd6: {  	v6 =	vadd.f32 v32, v8;
	v31 =	vld [tilespmem:s19+$0x0];
	v2 =	vadd.f32 v3, v2  }
0xd7: {  	s21 =	sadd.s32 $0x12C00, s0;
	v32 =	vld [tilespmem:s19+$0x80];
	v0 =	vadd.f32 $1.000000000e+00, v0  }
0xd8: {  	s9 =	sadd.s32 $0x12C80, s0;
	s8 =	sor.u32 s22, s21;
	v5 =	vadd.f32 v5, v6;
	v6 =	vld [tilespmem:s19+$0x100];
	v2 =	vadd.f32 v34, v2  }
0xd9: {  	s10 =	sor.u32 s22, s9;
	v1 =	vadd.f32 v33, v1;
	v44 =	vld [tilespmem:s8+$0x0];
	v30 =	vshrl.u32 v0, $0x1;
	v0 =	vmul.f32 $5.000000000e-01, v0  }
0xda: {  	v45 =	vld [tilespmem:s10+$0x0];
	v2 =	vadd.f32 v9, v2;
	v8 =	vsub.s32 $0x5F3759DF, v30  }
0xdb: {  	s20 =	sor.u32 s31, s4;
	v1 =	vadd.f32 v7, v1;
	v5 =	vadd.f32 v35, v5;
	v7 =	vld [tilespmem:s19+$0x180];
	v3 =	vmul.f32 v8, v0  }
0xdc: {  	v26 =	vld [tilespmem:s20+$0x0];
	v24 =	vadd.f32 v32, v31;
	v2 =	vadd.f32 v37, v2  }
0xdd: {  	v35 =	vld [tilespmem:s19+$0x200];
	v1 =	vadd.f32 v36, v1;
	v5 =	vadd.f32 v11, v5;
	v3 =	vmul.f32 v8, v3  }
0xde: {  	s11 =	sadd.s32 $0x12D00, s0;
	v34 =	vld [tilespmem:s20+$0x80];
	v6 =	vadd.f32 v6, v24;
	v2 =	vadd.f32 v53, v2  }
0xdf: {  	s12 =	sor.u32 s22, s11;
	v9 =	vld [tilespmem:s19+$0x280];
	v1 =	vadd.f32 v52, v1;
	v3 =	vsub.f32 $1.500000000e+00, v3  }
0xe0: {  	s6 =	sadd.s32 $0x12D80, s0;
	v46 =	vld [tilespmem:s12+$0x0];
	v6 =	vadd.f32 v7, v6;
	v2 =	vadd.f32 v40, v2  }
0xe1: {  	s13 =	sor.u32 s22, s6;
	v5 =	vadd.f32 v38, v5;
	v1 =	vadd.f32 v39, v1;
	v3 =	vmul.f32 v8, v3;
	v8 =	vld [tilespmem:s19+$0x300]  }
0xe2: {  	v47 =	vld [tilespmem:s13+$0x0];
	v6 =	vadd.f32 v35, v6;
	v2 =	vadd.f32 v56, v2  }
0xe3: {  	s3 =	sadd.s32 $0x12E80, s0;
	v11 =	vld [tilespmem:s19+$0x380];
	v26 =	vadd.f32 v34, v26;
	v1 =	vadd.f32 v55, v1  }
0xe4: {  	s15 =	sor.u32 s22, s3;
	v7 =	vld [tilespmem:s20+$0x100];
	v6 =	vadd.f32 v9, v6;
	v2 =	vadd.f32 v43, v2  }
0xe5: {  	v48 =	vld [tilespmem:s15+$0x0];
	v5 =	vadd.f32 v54, v5;
	v1 =	vadd.f32 v42, v1  }
0xe6: {  	v49 =	vld [tilespmem:s20+$0x280];
	v2 =	vadd.f32 v58, v2;
	v6 =	vadd.f32 v8, v6  }
0xe7: {  	s24 =	sor.u32 $0x20, s31;
	s23 =	sor.u32 $0x10, s31;
	v50 =	vld [tilespmem:s20+$0x300];
	v5 =	vadd.f32 v41, v5;
	v1 =	vadd.f32 v4, v1  }
0xe8: {  	s18 =	sor.u32 s23, s4;
	s4 =	sor.u32 s24, s4;
	v51 =	vld [tilespmem:s20+$0x380];
	v2 =	vadd.f32 v61, v2;
	v4 =	vadd.f32 v11, v6  }
0xe9: {  	v33 =	vld [tilespmem:s4+$0x180];
	v5 =	vadd.f32 v57, v5;
	v7 =	vadd.f32 v7, v26  }
0xea: {  	v32 =	vld [tilespmem:s18+$0x180];
	v2 =	vadd.f32 $1.000000000e+00, v2;
	v4 =	vadd.f32 v44, v4  }
0xeb: {  	s5 =	sadd.s32 $0x12E00, s0;
	v9 =	vld [tilespmem:s20+$0x180];
	v5 =	vadd.f32 v10, v5;
	v1 =	vadd.f32 v59, v1;
	v38 =	vmul.f32 v3, v0  }
0xec: {  	s14 =	sor.u32 s22, s5;
	v52 =	vld [tilespmem:s18+$0x0];
	v53 =	vshrl.u32 v2, $0x1;
	v2 =	vmul.f32 $5.000000000e-01, v2;
	v4 =	vadd.f32 v45, v4  }
0xed: {  	v1 =	vadd.f32 v62, v1;
	v16 =	vsub.s32 $0x5F3759DF, v53;
	v13 =	vmul.f32 v38, v3;
	v8 =	vld [tilespmem:s14+$0x0]  }
0xee: {  	v37 =	vld [tilespmem:s18+$0x380];
	v5 =	vadd.f32 v60, v5;
	v59 =	vmul.f32 v16, v2;
	v4 =	vadd.f32 v46, v4  }
0xef: {  	s2 =	sadd.s32 $0x12F00, s0;
	v56 =	vld [tilespmem:s4+$0x0];
	v1 =	vadd.f32 $1.000000000e+00, v1;
	v13 =	vsub.f32 $1.500000000e+00, v13  }
0xf0: {  	s16 =	sor.u32 s22, s2;
	v58 =	vld [tilespmem:s4+$0x80];
	v7 =	vadd.f32 v9, v7;
	v22 =	vmul.f32 v16, v59;
	v4 =	vadd.f32 v47, v4  }
0xf1: {  	s0 =	sadd.s32 $0x12F80, s0;
	v10 =	vld [tilespmem:s16+$0x0];
	v5 =	vadd.f32 v63, v5;
	v55 =	vshrl.u32 v1, $0x1;
	v3 =	vmul.f32 v13, v3  }
0xf2: {  	s17 =	sor.u32 s22, s0;
	v62 =	vld [tilespmem:s4+$0x100];
	v1 =	vmul.f32 $5.000000000e-01, v1;
	v22 =	vsub.f32 $1.500000000e+00, v22;
	v4 =	vadd.f32 v8, v4  }
0xf3: {  	v5 =	vadd.f32 $1.000000000e+00, v5;
	v18 =	vsub.s32 $0x5F3759DF, v55;
	v11 =	vld [tilespmem:s17+$0x0];
	v0 =	vmul.f32 v3, v0  }
0xf4: {  	v54 =	vld [tilespmem:s18+$0x80];
	v61 =	vmul.f32 v18, v1;
	v16 =	vmul.f32 v16, v22;
	v4 =	vadd.f32 v48, v4  }
0xf5: {  	v40 =	vld [tilespmem:s4+$0x300];
	v19 =	vadd.f32 v58, v56;
	v57 =	vshrl.u32 v5, $0x1;
	v0 =	vmul.f32 v0, v3  }
0xf6: {  	v60 =	vld [tilespmem:s18+$0x100];
	v20 =	vmul.f32 v18, v61;
	v39 =	vmul.f32 v16, v2;
	v4 =	vadd.f32 v10, v4  }
0xf7: {  	v5 =	vmul.f32 $5.000000000e-01, v5;
	v19 =	vadd.f32 v62, v19;
	v38 =	vld [tilespmem:s4+$0x200];
	v0 =	vsub.f32 $1.500000000e+00, v0  }
0xf8: {  	v34 =	vsub.f32 $1.500000000e+00, v20;
	v20 =	vmul.f32 v39, v16;
	v6 =	vld [tilespmem:s20+$0x200];
	v4 =	vadd.f32 v11, v4  }
0xf9: {  	v35 =	vld [tilespmem:s18+$0x280];
	v3 =	vmul.f32 v0, v3;
	v0 =	vadd.f32 v54, v52;
	v8 =	vsub.s32 $0x5F3759DF, v57  }
0xfa: {  	v9 =	vld [tilespmem:s4+$0x280];
	v19 =	vadd.f32 v33, v19;
	v63 =	vmul.f32 v8, v5;
	v4 =	vadd.f32 $1.000000000e+00, v4  }
0xfb: {  	v15 =	vmul.f32 v18, v34;
	v20 =	vsub.f32 $1.500000000e+00, v20;
	v0 =	vadd.f32 v60, v0;
	v10 =	vld [tilespmem:s18+$0x200]  }
0xfc: {  	s15 =	sor.u32 s31, s5;
	v42 =	vld [tilespmem:s4+$0x380];
	v28 =	vmul.f32 v8, v63;
	v41 =	vshrl.u32 v4, $0x1;
	v4 =	vmul.f32 $5.000000000e-01, v4  }
0xfd: {  	s8 =	sor.u32 s31, s11;
	s10 =	sor.u32 s23, s11;
	s11 =	sor.u32 s24, s11;
	v58 =	vld [tilespmem:s15+$0x0];
	v18 =	vadd.f32 v38, v19;
	v6 =	vadd.f32 v6, v7;
	v23 =	vsub.s32 $0x5F3759DF, v41  }
0xfe: {  	v53 =	vld [tilespmem:s11+$0x0];
	v0 =	vadd.f32 v32, v0;
	v36 =	vsub.f32 $1.500000000e+00, v28;
	v7 =	vmul.f32 v23, v4  }
0xff: {  	s19 =	sor.u32 s31, s21;
	v16 =	vmul.f32 v20, v16;
	v44 =	vmul.f32 v15, v1;
	v9 =	vadd.f32 v9, v18;
	v11 =	vld [tilespmem:s18+$0x300]  }
0x100: {  	s1 =	sor.u32 s24, s21;
	v43 =	vld [tilespmem:s19+$0x0];
	v8 =	vmul.f32 v8, v36;
	v0 =	vadd.f32 v10, v0;
	v7 =	vmul.f32 v23, v7  }
0x101: {  	s20 =	sor.u32 s23, s21;
	s21 =	sor.u32 s31, s9;
	v45 =	vld [tilespmem:s1+$0x0];
	v26 =	vmul.f32 v44, v15;
	v9 =	vadd.f32 v40, v9;
	v6 =	vadd.f32 v49, v6  }
0x102: {  	v46 =	vld [tilespmem:s21+$0x0];
	v47 =	vmul.f32 v8, v5;
	v0 =	vadd.f32 v35, v0;
	v7 =	vsub.f32 $1.500000000e+00, v7  }
0x103: {  	s7 =	sor.u32 s24, s9;
	v2 =	vmul.f32 v16, v2;
	v6 =	vadd.f32 v50, v6;
	v50 =	vsub.f32 $1.500000000e+00, v26;
	v10 =	vld [tilespmem:s20+$0x0]  }
0x104: {  	s4 =	sor.u32 s23, s9;
	v49 =	vmul.f32 v47, v8;
	v0 =	vadd.f32 v11, v0;
	v11 =	vld [tilespmem:s7+$0x0];
	v7 =	vmul.f32 v23, v7  }
0x105: {  	v9 =	vadd.f32 v42, v9;
	v6 =	vadd.f32 v51, v6;
	v15 =	vmul.f32 v50, v15;
	v48 =	vld [tilespmem:s4+$0x0]  }
0x106: {  	v51 =	vld [tilespmem:s8+$0x0];
	v13 =	vsub.f32 $1.500000000e+00, v49;
	v0 =	vadd.f32 v37, v0;
	v54 =	vmul.f32 v7, v4  }
0x107: {  	s12 =	sor.u32 s31, s6;
	v52 =	vld [tilespmem:s10+$0x0];
	v9 =	vadd.f32 v45, v9;
	v6 =	vadd.f32 v43, v6;
	v1 =	vmul.f32 v15, v1  }
0x108: {  	v55 =	vld [tilespmem:s12+$0x0];
	s14 =	sor.u32 s24, s6;
	v8 =	vmul.f32 v13, v8;
	v0 =	vadd.f32 v10, v0;
	v56 =	vmul.f32 v54, v7  }
0x109: {  	s13 =	sor.u32 s23, s6;
	v57 =	vld [tilespmem:s14+$0x0];
	v6 =	vadd.f32 v46, v6;
	v1 =	vmul.f32 v1, v15;
	v9 =	vadd.f32 v11, v9  }
0x10a: {  	s16 =	sor.u32 s23, s5;
	v10 =	vld [tilespmem:s13+$0x0];
	v5 =	vmul.f32 v8, v5;
	v0 =	vadd.f32 v48, v0;
	v11 =	vsub.f32 $1.500000000e+00, v56  }
0x10b: {  	v59 =	vld [tilespmem:s16+$0x0];
	s17 =	sor.u32 s24, s5;
	v2 =	vmul.f32 v2, v16;
	v6 =	vadd.f32 v51, v6;
	v1 =	vsub.f32 $1.500000000e+00, v1  }
0x10c: {  	s19 =	sor.u32 s31, s3;
	s18 =	sand.u32 $0x380, s28;
	v5 =	vmul.f32 v5, v8;
	v60 =	vadd.f32 v52, v0;
	v0 =	vmul.f32 v11, v7;
	v7 =	vld [tilespmem:s17+$0x0]  }
0x10d: {  	v61 =	vsub.f32 $1.500000000e+00, v2;
	s4 =	sor.u32 $0x14000, s18;
	v1 =	vmul.f32 v1, v15;
	s20 =	sor.u32 s23, s3;
	v9 =	vadd.f32 v53, v9;
	v11 =	vld [tilespmem:s19+$0x0]  }
0x10e: {  	s11 =	sor.u32 s31, s0;
	s21 =	sor.u32 s25, s4;
	s3 =	sor.u32 s24, s3;
	v6 =	vadd.f32 v55, v6;
	v2 =	vld [tilespmem:s20+$0x0];
	v5 =	vsub.f32 $1.500000000e+00, v5;
	v62 =	vmul.f32 v0, v4  }
0x10f: {  	s6 =	sor.u32 s23, s0;
	s25 =	sor.u32 s26, s4;
	s26 =	sor.u32 s31, s2;
	[tilespmem:s21+$0x0] =	vst v3;
	v15 =	vmul.f32 v61, v16;
	v3 =	vld [tilespmem:s3+$0x0];
	v63 =	vadd.f32 v57, v9;
	v10 =	vadd.f32 v10, v60  }
0x110: {  	s4 =	sor.u32 s29, s4;
	s29 =	sor.u32 s23, s2;
	s3 =	simm.s32 $0x14000;
	[tilespmem:s25+$0x0] =	vst v1;
	v6 =	vadd.f32 v58, v6;
	v1 =	vmul.f32 v5, v8;
	v4 =	vld [tilespmem:s26+$0x0];
	v13 =	vmul.f32 v62, v0  }
0x111: {  	s9 =	sor.u32 s24, s0;
	s0 =	sand.u32 $0x380, s30;
	s2 =	sor.u32 s24, s2;
	[tilespmem:s3+$0x0] =	vst v15;
	v5 =	vld [tilespmem:s29+$0x0];
	v9 =	vadd.f32 v59, v10;
	v8 =	vadd.f32 v7, v63  }
0x112: {  	s28 =	simm.s32 $0x80;
	s25 =	simm.s32 $0x4;
	[tilespmem:s4+$0x0] =	vst v1;
	s26 =	simm.s32 $0x400;
	v7 =	vadd.f32 v11, v6;
	v6 =	vld [tilespmem:s2+$0x0];
	v1 =	vsub.f32 $1.500000000e+00, v13  }
.LBB2_6:
0x113: {  	[dreg:$0x5] =	wrdreg s3;
	s3 =	sand.u32 $0x40, s28;
	s5 =	sand.u32 $0x1C00, s26;
	v10 =	vld [tilespmem:s11+$0x0]  }
0x114: {  	s1 =	sor.u32 $0x14000, s0;
	s2 =	sadd.s32 $0x11800, s5;
	s4 =	sor.u32 $0x30, s3;
	v0 =	vmul.f32 v1, v0;
	v2 =	vadd.f32 v2, v9;
	v9 =	vld [tilespmem:s6+$0x0]  }
0x115: {  	s18 =	sor.u32 s22, s1;
	s17 =	sor.u32 s4, s2;
	v1 =	vadd.f32 v4, v7;
	v4 =	vld [tilespmem:s9+$0x0]  }
0x116: {  	v7 =	vld [tilespmem:s17+$0x0];
	[tilespmem:s18+$0x0] =	vst v0  }
0x117: {  	s30 =	sor.u32 s3, s2;
	v3 =	vadd.f32 v3, v8;
	v0 =	vld [tilespmem:s17+$0x80]  }
0x118: {  	v8 =	vld [tilespmem:s30+$0x80];
	v1 =	vadd.f32 v10, v1  }
0x119: {  	v2 =	vadd.f32 v5, v2;
	v3 =	vadd.f32 v6, v3;
	v6 =	vld [tilespmem:s17+$0x100]  }
0x11a: {  	s7 =	sor.u32 $0x10, s3;
	v5 =	vld [tilespmem:s30+$0x0];
	v1 =	vadd.f32 $1.000000000e+00, v1  }
0x11b: {  	s31 =	sor.u32 s7, s2;
	v2 =	vadd.f32 v9, v2;
	v3 =	vadd.f32 v4, v3;
	v4 =	vld [tilespmem:s17+$0x180]  }
0x11c: {  	s8 =	sor.u32 $0x20, s3;
	v12 =	vld [tilespmem:s31+$0x80];
	v0 =	vadd.f32 v0, v7  }
0x11d: {  	s29 =	sor.u32 s8, s2;
	v10 =	vld [tilespmem:s17+$0x200];
	v7 =	vshrl.u32 v1, $0x1;
	v2 =	vadd.f32 $1.000000000e+00, v2  }
0x11e: {  	v13 =	vld [tilespmem:s29+$0x0];
	v1 =	vmul.f32 $5.000000000e-01, v1;
	v3 =	vadd.f32 $1.000000000e+00, v3;
	v0 =	vadd.f32 v6, v0  }
0x11f: {  	v5 =	vadd.f32 v8, v5;
	v8 =	vld [tilespmem:s17+$0x280];
	v7 =	vsub.s32 $0x5F3759DF, v7;
	v11 =	vshrl.u32 v2, $0x1  }
0x120: {  	v9 =	vld [tilespmem:s31+$0x0];
	v2 =	vmul.f32 $5.000000000e-01, v2;
	v6 =	vshrl.u32 v3, $0x1;
	v0 =	vadd.f32 v4, v0  }
0x121: {  	v14 =	vld [tilespmem:s17+$0x300];
	v3 =	vmul.f32 $5.000000000e-01, v3;
	v11 =	vsub.s32 $0x5F3759DF, v11;
	v4 =	vmul.f32 v7, v1  }
0x122: {  	v17 =	vld [tilespmem:s29+$0x80];
	v6 =	vsub.s32 $0x5F3759DF, v6;
	v15 =	vmul.f32 v11, v2;
	v0 =	vadd.f32 v10, v0  }
0x123: {  	s20 =	sadd.s32 $0x12C00, s5;
	s22 =	smov.u32 s4;
	v16 =	vmul.f32 v6, v3;
	v4 =	vmul.f32 v7, v4;
	v10 =	vld [tilespmem:s17+$0x380]  }
0x124: {  	v45 =	vld [tilespmem:s30+$0x100];
	s4 =	sor.u32 s22, s20;
	v43 =	vmul.f32 v11, v15;
	v0 =	vadd.f32 v8, v0  }
0x125: {  	s19 =	sor.u32 s23, s1;
	s6 =	sadd.s32 $0x12C80, s5;
	v9 =	vadd.f32 v12, v9;
	v44 =	vmul.f32 v6, v16;
	v4 =	vsub.f32 $1.500000000e+00, v4;
	v8 =	vld [tilespmem:s4+$0x0]  }
0x126: {  	s1 =	sor.u32 s24, s1;
	s24 =	smov.u32 s8;
	v18 =	vld [tilespmem:s31+$0x100];
	s8 =	sor.u32 s22, s6;
	v12 =	vsub.f32 $1.500000000e+00, v43;
	v0 =	vadd.f32 v14, v0  }
0x127: {  	s11 =	sadd.s32 $0x12D80, s5;
	s9 =	sadd.s32 $0x12D00, s5;
	v46 =	vld [tilespmem:s8+$0x0];
	v15 =	vsub.f32 $1.500000000e+00, v44;
	v4 =	vmul.f32 v7, v4  }
0x128: {  	s0 =	sadd.s32 $0x12F80, s5;
	[dreg:$0x6] =	wrdreg s19;
	v47 =	vld [tilespmem:s29+$0x100];
	s10 =	sor.u32 s22, s9;
	v11 =	vmul.f32 v11, v12;
	v0 =	vadd.f32 v10, v0  }
0x129: {  	[dreg:$0x7] =	wrdreg s1;
	s23 =	smov.u32 s7;
	s21 =	sor.u32 s3, s20;
	v48 =	vld [tilespmem:s10+$0x0];
	v6 =	vmul.f32 v6, v15;
	v10 =	vmul.f32 v4, v1  }
0x12a: {  	[dreg:$0xa] =	wrdreg s21;
	s2 =	sor.u32 s23, s20;
	v51 =	vld [tilespmem:s30+$0x180];
	s12 =	sor.u32 s22, s11;
	v49 =	vmul.f32 v11, v2;
	v0 =	vadd.f32 v8, v0  }
0x12b: {  	s1 =	sor.u32 s24, s20;
	s20 =	sor.u32 s3, s11;
	s21 =	sadd.s32 $0x12E00, s5;
	v50 =	vmul.f32 v6, v3;
	v8 =	vmul.f32 v10, v4;
	v10 =	vld [tilespmem:s12+$0x0]  }
0x12c: {  	s19 =	sor.u32 s23, s11;
	v52 =	vld [tilespmem:s31+$0x180];
	[dreg:$0x8] =	wrdreg s2;
	s2 =	sor.u32 s22, s21;
	v15 =	vmul.f32 v49, v11;
	v0 =	vadd.f32 v46, v0  }
0x12d: {  	s14 =	sor.u32 s3, s6;
	s7 =	sor.u32 s23, s6;
	v53 =	vld [tilespmem:s2+$0x0];
	s4 =	sadd.s32 $0x12E80, s5;
	v16 =	vmul.f32 v50, v6;
	v8 =	vsub.f32 $1.500000000e+00, v8  }
0x12e: {  	v55 =	vld [tilespmem:s29+$0x180];
	s16 =	sor.u32 s24, s6;
	s15 =	sor.u32 s23, s9;
	s6 =	sor.u32 s22, s4;
	v54 =	vsub.f32 $1.500000000e+00, v15;
	v0 =	vadd.f32 v48, v0  }
0x12f: {  	s18 =	sor.u32 s24, s9;
	s17 =	sor.u32 s3, s9;
	v9 =	vadd.f32 v18, v9;
	s9 =	sadd.s32 $0x12F00, s5;
	v56 =	vld [tilespmem:s6+$0x0];
	v4 =	vmul.f32 v8, v4;
	v8 =	vsub.f32 $1.500000000e+00, v16  }
0x130: {  	s13 =	sor.u32 s24, s11;
	v57 =	vld [tilespmem:s30+$0x200];
	[dreg:$0x9] =	wrdreg s1;
	s11 =	sor.u32 s22, s9;
	v7 =	vadd.f32 v17, v13;
	v11 =	vmul.f32 v54, v11;
	v0 =	vadd.f32 v10, v0  }
0x131: {  	[dreg:$0xb] =	wrdreg s7;
	s10 =	sor.u32 s3, s21;
	s1 =	sor.u32 s3, s9;
	v1 =	vmul.f32 v4, v1;
	v6 =	vmul.f32 v8, v6;
	v8 =	vadd.f32 v52, v9;
	v9 =	vld [tilespmem:s11+$0x0]  }
0x132: {  	v5 =	vadd.f32 v45, v5;
	s7 =	sor.u32 s3, s4;
	s11 =	sor.u32 s3, s0;
	v10 =	vld [tilespmem:s31+$0x200];
	s3 =	sor.u32 s22, s0;
	v2 =	vmul.f32 v11, v2;
	v0 =	vadd.f32 v53, v0  }
0x133: {  	v7 =	vadd.f32 v47, v7;
	v58 =	vld [tilespmem:s3+$0x0];
	v1 =	vmul.f32 v1, v4;
	v3 =	vmul.f32 v6, v3  }
0x134: {  	v59 =	vld [tilespmem:s29+$0x200];
	v5 =	vadd.f32 v51, v5;
	v2 =	vmul.f32 v2, v11;
	v0 =	vadd.f32 v56, v0  }
0x135: {  	v60 =	vld [tilespmem:s30+$0x280];
	v7 =	vadd.f32 v55, v7;
	v1 =	vsub.f32 $1.500000000e+00, v1;
	v3 =	vmul.f32 v3, v6  }
0x136: {  	v61 =	vld [tilespmem:s31+$0x280];
	s2 =	sor.u32 s23, s9;
	s5 =	sor.u32 s24, s9;
	v2 =	vsub.f32 $1.500000000e+00, v2;
	v0 =	vadd.f32 v9, v0  }
0x137: {  	s9 =	sor.u32 s24, s0;
	s6 =	sor.u32 s23, s0;
	s0 =	rddreg [dreg:$0x5];
	v1 =	vmul.f32 v1, v4;
	v3 =	vsub.f32 $1.500000000e+00, v3;
	v4 =	vadd.f32 v10, v8;
	v8 =	vld [tilespmem:s29+$0x280]  }
0x138: {  	v5 =	vadd.f32 v57, v5;
	s3 =	sadd.s32 $0x40, s0;
	v9 =	vld [tilespmem:s30+$0x300];
	v2 =	vmul.f32 v2, v11;
	v0 =	vadd.f32 v58, v0  }
0x139: {  	s0 =	rddreg [dreg:$0x6];
	[tilespmem:s3+$0x0] =	vst v1;
	v1 =	vmul.f32 v3, v6;
	v3 =	vld [tilespmem:s31+$0x300];
	v6 =	vadd.f32 v59, v7  }
0x13a: {  	[tilespmem:s0+$0x0] =	vst v2;
	v2 =	vadd.f32 v60, v5;
	v5 =	vld [tilespmem:s29+$0x300];
	s0 =	rddreg [dreg:$0x7];
	v0 =	vadd.f32 $1.000000000e+00, v0  }
0x13b: {  	v4 =	vadd.f32 v61, v4;
	[tilespmem:s0+$0x0] =	vst v1;
	v1 =	vld [tilespmem:s30+$0x380]  }
0x13c: {  	v7 =	vld [tilespmem:s31+$0x380];
	v6 =	vadd.f32 v8, v6;
	v8 =	vshrl.u32 v0, $0x1;
	v10 =	vmul.f32 $5.000000000e-01, v0  }
0x13d: {  	s31 =	rddreg [dreg:$0xa];
	v0 =	vadd.f32 v9, v2;
	v2 =	vld [tilespmem:s29+$0x380];
	v8 =	vsub.s32 $0x5F3759DF, v8  }
0x13e: {  	v9 =	vld [tilespmem:s31+$0x0];
	s29 =	rddreg [dreg:$0x8];
	v3 =	vadd.f32 v3, v4;
	v4 =	vmul.f32 v8, v10  }
0x13f: {  	v11 =	vld [tilespmem:s29+$0x0]  }
0x140: {  	s30 =	rddreg [dreg:$0x9];
	v5 =	vadd.f32 v5, v6;
	v6 =	vld [tilespmem:s14+$0x0];
	v4 =	vmul.f32 v8, v4  }
0x141: {  	s31 =	rddreg [dreg:$0xb];
	v0 =	vadd.f32 v1, v0;
	v1 =	vld [tilespmem:s30+$0x0]  }
0x142: {  	v3 =	vadd.f32 v7, v3;
	v7 =	vld [tilespmem:s31+$0x0];
	v4 =	vsub.f32 $1.500000000e+00, v4  }
0x143: {  	v2 =	vadd.f32 v2, v5;
	v5 =	vld [tilespmem:s16+$0x0]  }
0x144: {  	v0 =	vadd.f32 v9, v0;
	v9 =	vld [tilespmem:s17+$0x0];
	v4 =	vmul.f32 v8, v4  }
0x145: {  	v3 =	vadd.f32 v11, v3;
	v11 =	vld [tilespmem:s20+$0x0]  }
0x146: {  	v0 =	vadd.f32 v6, v0;
	v8 =	vld [tilespmem:s15+$0x0];
	v1 =	vadd.f32 v1, v2;
	v6 =	vmul.f32 v4, v10  }
0x147: {  	v2 =	vld [tilespmem:s18+$0x0]  }
0x148: {  	v3 =	vadd.f32 v7, v3;
	v7 =	vld [tilespmem:s19+$0x0];
	v1 =	vadd.f32 v5, v1;
	v5 =	vmul.f32 v6, v4  }
0x149: {  	v0 =	vadd.f32 v9, v0;
	v6 =	vld [tilespmem:s13+$0x0]  }
0x14a: {  	v9 =	vld [tilespmem:s10+$0x0];
	v5 =	vsub.f32 $1.500000000e+00, v5  }
0x14b: {  	s12 =	sor.u32 s23, s21;
	v63 =	vld [tilespmem:s7+$0x0];
	v11 =	vadd.f32 v11, v0  }
0x14c: {  	s25 =	sadd.s32 $0x4, s25;
	s8 =	sor.u32 s24, s21;
	v3 =	vadd.f32 v8, v3;
	v8 =	vld [tilespmem:s12+$0x0];
	v1 =	vadd.f32 v2, v1;
	v0 =	vmul.f32 v5, v4  }
0x14d: {  	p0 =	slt.u32 s25, $0x24;
	s21 =	sor.u32 s23, s4;
	v62 =	vld [tilespmem:s8+$0x0]  }
.Ltmp3:
0x14e: {  	s4 =	sor.u32 s24, s4;
	v2 =	vld [tilespmem:s21+$0x0];
	v1 =	vadd.f32 v6, v1;
	v6 =	vmul.f32 v0, v10;
	(pc) =	sbr.rel @p0 .LBB2_6-.Ltmp3, $4  }
0x14f: {  	v5 =	vadd.f32 v7, v3;
	v7 =	vadd.f32 v9, v11;
	v3 =	vld [tilespmem:s4+$0x0]  }
0x150: {  	v4 =	vld [tilespmem:s1+$0x0];
	v10 =	vmul.f32 v6, v0  }
0x151: {  	v9 =	vadd.f32 v8, v5;
	v5 =	vld [tilespmem:s2+$0x0];
	v7 =	vadd.f32 v63, v7  }
0x152: {  	s26 =	sadd.s32 $0x200, s26;
	s0 =	sand.u32 $0x380, s28;
	s28 =	sadd.s32 $0x40, s28;
	v8 =	vadd.f32 v62, v1;
	v6 =	vld [tilespmem:s5+$0x0];
	v1 =	vsub.f32 $1.500000000e+00, v10  }
0x153: {  	v10 =	vld [tilespmem:s11+$0x0]  }
0x154: {  	v11 =	vld [tilespmem:s6+$0x0]  }
0x155: {  	v12 =	vld [tilespmem:s9+$0x0];
	v2 =	vadd.f32 v2, v9  }
0x156: {  	v3 =	vadd.f32 v3, v8  }
0x157: {  	v4 =	vadd.f32 v4, v7;
	v2 =	vadd.f32 v5, v2  }
0x158: {  	v3 =	vadd.f32 v6, v3  }
0x159: {  	v4 =	vadd.f32 v10, v4;
	v2 =	vadd.f32 v11, v2  }
0x15a: {  	v3 =	vadd.f32 v12, v3  }
0x15b: {  	v4 =	vadd.f32 $1.000000000e+00, v4;
	v2 =	vadd.f32 $1.000000000e+00, v2  }
0x15c: {  	v3 =	vadd.f32 $1.000000000e+00, v3  }
0x15d: {  	v5 =	vshrl.u32 v4, $0x1;
	v4 =	vmul.f32 $5.000000000e-01, v4;
	v6 =	vshrl.u32 v2, $0x1  }
0x15e: {  	v2 =	vmul.f32 $5.000000000e-01, v2;
	v7 =	vshrl.u32 v3, $0x1;
	v5 =	vsub.s32 $0x5F3759DF, v5  }
0x15f: {  	v3 =	vmul.f32 $5.000000000e-01, v3;
	v6 =	vsub.s32 $0x5F3759DF, v6;
	v8 =	vmul.f32 v5, v4  }
0x160: {  	v7 =	vsub.s32 $0x5F3759DF, v7;
	v9 =	vmul.f32 v6, v2  }
0x161: {  	v10 =	vmul.f32 v7, v3;
	v8 =	vmul.f32 v5, v8  }
0x162: {  	v9 =	vmul.f32 v6, v9  }
0x163: {  	v10 =	vmul.f32 v7, v10;
	v8 =	vsub.f32 $1.500000000e+00, v8  }
0x164: {  	v9 =	vsub.f32 $1.500000000e+00, v9  }
0x165: {  	v10 =	vsub.f32 $1.500000000e+00, v10;
	v5 =	vmul.f32 v5, v8  }
0x166: {  	v6 =	vmul.f32 v6, v9  }
0x167: {  	v7 =	vmul.f32 v7, v10;
	v8 =	vmul.f32 v5, v4  }
0x168: {  	v9 =	vmul.f32 v6, v2  }
0x169: {  	v10 =	vmul.f32 v7, v3;
	v8 =	vmul.f32 v8, v5  }
0x16a: {  	v9 =	vmul.f32 v9, v6  }
0x16b: {  	v10 =	vmul.f32 v10, v7;
	v8 =	vsub.f32 $1.500000000e+00, v8  }
0x16c: {  	v9 =	vsub.f32 $1.500000000e+00, v9  }
0x16d: {  	v5 =	vmul.f32 v8, v5;
	v8 =	vsub.f32 $1.500000000e+00, v10  }
0x16e: {  	v6 =	vmul.f32 v9, v6  }
0x16f: {  	v4 =	vmul.f32 v5, v4;
	v7 =	vmul.f32 v8, v7  }
0x170: {  	v2 =	vmul.f32 v6, v2  }
0x171: {  	v4 =	vmul.f32 v4, v5;
	v3 =	vmul.f32 v7, v3  }
0x172: {  	v2 =	vmul.f32 v2, v6  }
0x173: {  	v4 =	vsub.f32 $1.500000000e+00, v4;
	v3 =	vmul.f32 v3, v7  }
0x174: {  	s0 =	sor.u32 $0x14000, s0;
	v0 =	vmul.f32 v1, v0;
	v1 =	vsub.f32 $1.500000000e+00, v2  }
0x175: {  	s1 =	sor.u32 s22, s0;
	v2 =	vmul.f32 v4, v5;
	v3 =	vsub.f32 $1.500000000e+00, v3  }
0x176: {  	s10 =	sadd.s32 $0x40, s3;
	[tilespmem:s1+$0x0] =	vst v0;
	v0 =	vmul.f32 v1, v6  }
0x177: {  	s11 =	sor.u32 s23, s0;
	s23 =	stileid.u32;
	[tilespmem:s10+$0x0] =	vst v2;
	v1 =	vmul.f32 v3, v7  }
0x178: {  	s0 =	sor.u32 s24, s0;
	p0 =	sne.s32 s23, $0xF;
	[tilespmem:s11+$0x0] =	vst v0  }
0x179: {  	v0 =	vimm.f32 @!p0 $0.0e+00;
	[tilespmem:s0+$0x0] =	vst v1  }
0x17a: {  	[tilespmem:$0x14190] =	vst @!p0 v0  }
0x17b: {  	[tilespmem:$0x141A0] =	vst @!p0 v0  }
0x17c: {  	[tilespmem:$0x141B0] =	vst @!p0 v0  }
0x17d: {  	[tilespmem:$0x141C0] =	vst @!p0 v0  }
0x17e: {  	[tilespmem:$0x141D0] =	vst @!p0 v0  }
0x17f: {  	[tilespmem:$0x141E0] =	vst @!p0 v0  }
0x180: {  	[tilespmem:$0x141F0] =	vst @!p0 v0  }
0x181: {  	[tilespmem:$0x14200] =	vst @!p0 v0  }
0x182: {  	[tilespmem:$0x14210] =	vst @!p0 v0  }
0x183: {  	[tilespmem:$0x14220] =	vst @!p0 v0  }
0x184: {  	[tilespmem:$0x14230] =	vst @!p0 v0  }
0x185: {  	[tilespmem:$0x14240] =	vst @!p0 v0  }
0x186: {  	[tilespmem:$0x14250] =	vst @!p0 v0  }
0x187: {  	[tilespmem:$0x14260] =	vst @!p0 v0  }
0x188: {  	s12 =	simm.s32 $0x14000;
	s13 =	simm.s32 $0x2;
	[tilespmem:$0x14270] =	vst @!p0 v0;
	s1 =	rddreg [dreg:$0xf]  }
0x189: {  	[spmem:s1] =	stream.linear.scatter [tilespmem:s12], [sflag:$0x2], $0x280, $0x38;
	[tilespmem:$0x16D00] =	vst v63  }
0x18a: {  	_ =	swait.ge [sflag:s13], $0x280  }
0x18b: {  	[sflag:s13] =	ssyncset.done $0x0  }
0x18c: {  	s2 =	simm.s32 $0x0;
	s14 =	rddreg [dreg:$0xe];
	[sflag:s13] =	ssyncadd.s32 $0xFFFFFD80  }
0x18d: {  	[hbm4b:s14+s2] =	stream.linear.scatter [tilespmem:s12], [sflag:$0x2], $0x280, $0x38;
	[tilespmem:$0x16D00] =	vst v63  }
0x18e: {  	_ =	swait.ge [sflag:s13], $0x280  }
0x18f: {  	[sflag:s13] =	ssyncset.done $0x0  }
0x190: {  	[sflag:s13] =	ssyncadd.s32 $0xFFFFFD80  }
0x191: {  	[bflag:$0x0] =	sbarrier.arrive $0xFFFF  }
0x192: {  	s0 =	simm.s32 $0xF000;
	s15 =	rddreg [dreg:$0x3]  }
0x193: {  	[tilespmem:s0], [sflag:$0x2] =	stream.linear.gather [spmem:s15], $0x2800, $0x38;
	[tilespmem:$0x16D00] =	vst v63  }
0x194: {  	_ =	swait.ge [sflag:s13], $0x2800  }
0x195: {  	[sflag:s13] =	ssyncset.done $0x0  }
0x196: {  	s16 =	rddreg [dreg:$0x11];
	[sflag:s13] =	ssyncadd.s32 $0xFFFFD800  }
0x197: {  	v0 =	vld [tilespmem:s16+$0x80]  }
0x198: {  	s17 =	rddreg [dreg:$0x18];
	v1 =	vld [tilespmem:s16+$0x0]  }
0x199: {  	v2 =	vld [tilespmem:s17+$0x80]  }
0x19a: {  	s18 =	rddreg [dreg:$0x19];
	v14 =	vld [tilespmem:s17+$0x0]  }
0x19b: {  	v3 =	vld [tilespmem:s18+$0x80]  }
0x19c: {  	s19 =	rddreg [dreg:$0x1a];
	v11 =	vld [tilespmem:s18+$0x0]  }
0x19d: {  	v4 =	vld [tilespmem:s19+$0x80]  }
0x19e: {  	s20 =	rddreg [dreg:$0x1b];
	v10 =	vld [tilespmem:s19+$0x0]  }
0x19f: {  	v6 =	vld [tilespmem:s20+$0x80]  }
0x1a0: {  	v0 =	vld.idx.msk [tilespmem:v0+s0+$0x0], $0xffff  }
0x1a1: {  	s21 =	rddreg [dreg:$0x1c];
	v8 =	vld [tilespmem:s20+$0x0]  }
0x1a2: {  	v13 =	vld [tilespmem:s21+$0x80]  }
0x1a3: {  	s22 =	rddreg [dreg:$0x1d];
	v7 =	vld [tilespmem:s21+$0x0]  }
0x1a4: {  	s2 =	simm.s32 $0xC800;
	s24 =	rddreg [dreg:$0x12];
	v16 =	vld [tilespmem:s22+$0x80]  }
0x1a5: {  	s25 =	rddreg [dreg:$0x13];
	[tilespmem:v1+s2+$0x0] =	vst.idx.add.f32.msk $0xffff, v0  }
0x1a6: {  	v5 =	vld [tilespmem:s22+$0x0];
	s26 =	rddreg [dreg:$0x14]  }
0x1a7: {  	v15 =	vld.idx.msk [tilespmem:v2+s0+$0x0], $0xffff;
	s4 =	rddreg [dreg:$0x15]  }
0x1a8: {  	s1 =	sor.u32 s24, s25;
	v12 =	vld.idx.msk [tilespmem:v3+s0+$0x0], $0xffff;
	s28 =	rddreg [dreg:$0x16]  }
0x1a9: {  	v0 =	vld [tilespmem:s1+$0x80];
	s29 =	rddreg [dreg:$0x17];
	s6 =	sor.u32 s26, s4  }
0x1aa: {  	s5 =	sor.u32 s28, s29;
	v1 =	vld [tilespmem:s6+$0x80]  }
0x1ab: {  	v17 =	vld [tilespmem:s5+$0x80]  }
0x1ac: {  	v9 =	vld.idx.msk [tilespmem:v4+s0+$0x0], $0xffff  }
0x1ad: {  	v6 =	vld.idx.msk [tilespmem:v6+s0+$0x0], $0xffff  }
0x1ae: {  	v4 =	vld.idx.msk [tilespmem:v13+s0+$0x0], $0xffff  }
0x1af: {  	v3 =	vld.idx.msk [tilespmem:v16+s0+$0x0], $0xffff  }
0x1b0: {  	v13 =	vld [tilespmem:s1+$0x0]  }
0x1b1: {  	s30 =	rddreg [dreg:$0x10];
	v2 =	vld.idx.msk [tilespmem:v0+s0+$0x0], $0xffff  }
0x1b2: {  	s31 =	rddreg [dreg:$0xd];
	v1 =	vld.idx.msk [tilespmem:v1+s0+$0x0], $0xffff  }
0x1b3: {  	s1 =	simm.s32 $0x0;
	s3 =	sadd.s32 $0x140, s30;
	s4 =	sadd.s32 $0xA0, s31;
	v0 =	vld.idx.msk [tilespmem:v17+s0+$0x0], $0xffff  }
.LBB2_8:
0x1b4: {  	s7 =	sadd.s32 $0xFFFFFFF0, s4;
	s8 =	sadd.s32 $0xFFFFFFE0, s3;
	s1 =	sadd.s32 $0xA, s1;
	v16 =	vld [tilespmem:s6+$0x0]  }
0x1b5: {  	s6 =	sand.u32 $0x60, s7;
	s7 =	sand.u32 $0x3FF00, s8;
	p0 =	slt.u32 s1, $0x4D8;
	v17 =	vld [tilespmem:s5+$0x0]  }
0x1b6: {  	s5 =	sadd.s32 $0xFFFFFEE0, s3;
	s8 =	sadd.s32 $0xFFFFFF80, s4;
	s6 =	sor.u32 s6, s7;
	[tilespmem:v14+s2+$0x0] =	vst.idx.add.f32.msk $0xffff, v15  }
0x1b7: {  	s9 =	sadd.s32 $0xFFFFFF90, s4;
	s10 =	sadd.s32 $0xFFFFFF20, s3;
	s7 =	sadd.s32 $0xFFFFFF00, s3;
	v14 =	vld [tilespmem:s6+$0x80]  }
0x1b8: {  	s11 =	sadd.s32 $0xFFFFFFA0, s4;
	s12 =	sadd.s32 $0xFFFFFF40, s3;
	s13 =	sadd.s32 $0xFFFFFFB0, s4;
	[tilespmem:v11+s2+$0x0] =	vst.idx.add.f32.msk $0xffff, v12  }
0x1b9: {  	s14 =	sadd.s32 $0xFFFFFF60, s3;
	s15 =	sadd.s32 $0xFFFFFFC0, s4;
	s16 =	sadd.s32 $0xFFFFFF80, s3;
	[tilespmem:v10+s2+$0x0] =	vst.idx.add.f32.msk $0xffff, v9  }
0x1ba: {  	s17 =	sadd.s32 $0xFFFFFFD0, s4;
	s18 =	sadd.s32 $0xFFFFFFA0, s3;
	s19 =	sadd.s32 $0xFFFFFFE0, s4;
	[tilespmem:v8+s2+$0x0] =	vst.idx.add.f32.msk $0xffff, v6  }
0x1bb: {  	s20 =	sadd.s32 $0xFFFFFF70, s4;
	s21 =	sadd.s32 $0xFFFFFFC0, s3;
	s5 =	sand.u32 $0x1FF00, s5;
	[tilespmem:v7+s2+$0x0] =	vst.idx.add.f32.msk $0xffff, v4  }
0x1bc: {  	s20 =	sand.u32 $0x60, s20;
	s8 =	sand.u32 $0x70, s8;
	s7 =	sand.u32 $0x1FF00, s7;
	[tilespmem:v5+s2+$0x0] =	vst.idx.add.f32.msk $0xffff, v3  }
0x1bd: {  	s9 =	sand.u32 $0x60, s9;
	s10 =	sand.u32 $0x3FF00, s10;
	s11 =	sand.u32 $0x70, s11;
	v3 =	vld [tilespmem:s6+$0x0]  }
0x1be: {  	s6 =	sand.u32 $0x3FF00, s12;
	s12 =	sand.u32 $0x60, s13;
	s13 =	sand.u32 $0x3FF00, s14;
	[tilespmem:v13+s2+$0x0] =	vst.idx.add.f32.msk $0xffff, v2  }
0x1bf: {  	s14 =	sand.u32 $0x70, s15;
	s15 =	sand.u32 $0x3FF00, s16;
	s16 =	sand.u32 $0x60, s17;
	v2 =	vld.idx.msk [tilespmem:v14+s0+$0x0], $0xffff  }
0x1c0: {  	s17 =	sand.u32 $0x3FF00, s18;
	s18 =	sand.u32 $0x70, s19;
	s19 =	sand.u32 $0x3FF00, s21;
	[tilespmem:v16+s2+$0x0] =	vst.idx.add.f32.msk $0xffff, v1  }
0x1c1: {  	s20 =	sor.u32 s20, s5;
	s5 =	sand.u32 $0x70, s4;
	s21 =	sand.u32 $0x3FF00, s3;
	[tilespmem:v17+s2+$0x0] =	vst.idx.add.f32.msk $0xffff, v0  }
0x1c2: {  	s7 =	sor.u32 s8, s7;
	s8 =	sor.u32 s9, s10;
	s9 =	sor.u32 s11, s6;
	v0 =	vld [tilespmem:s20+$0x80]  }
0x1c3: {  	s10 =	sor.u32 s12, s13;
	s11 =	sor.u32 s14, s15;
	s12 =	sor.u32 s16, s17;
	v1 =	vld [tilespmem:s7+$0x80]  }
0x1c4: {  	s6 =	sor.u32 s18, s19;
	s5 =	sor.u32 s5, s21;
	v4 =	vld [tilespmem:s8+$0x80]  }
0x1c5: {  	[tilespmem:v3+s2+$0x0] =	vst.idx.add.f32.msk $0xffff, v2  }
0x1c6: {  	v2 =	vld [tilespmem:s9+$0x80]  }
0x1c7: {  	v3 =	vld [tilespmem:s10+$0x80]  }
0x1c8: {  	v5 =	vld [tilespmem:s11+$0x80]  }
0x1c9: {  	v7 =	vld [tilespmem:s12+$0x80]  }
0x1ca: {  	v8 =	vld [tilespmem:s6+$0x80]  }
0x1cb: {  	v10 =	vld [tilespmem:s5+$0x80]  }
0x1cc: {  	v15 =	vld.idx.msk [tilespmem:v0+s0+$0x0], $0xffff  }
0x1cd: {  	v12 =	vld.idx.msk [tilespmem:v1+s0+$0x0], $0xffff  }
0x1ce: {  	v9 =	vld.idx.msk [tilespmem:v4+s0+$0x0], $0xffff  }
0x1cf: {  	v6 =	vld.idx.msk [tilespmem:v2+s0+$0x0], $0xffff  }
0x1d0: {  	v4 =	vld.idx.msk [tilespmem:v3+s0+$0x0], $0xffff  }
0x1d1: {  	v3 =	vld.idx.msk [tilespmem:v5+s0+$0x0], $0xffff  }
0x1d2: {  	v2 =	vld.idx.msk [tilespmem:v7+s0+$0x0], $0xffff  }
0x1d3: {  	v1 =	vld.idx.msk [tilespmem:v8+s0+$0x0], $0xffff  }
0x1d4: {  	v0 =	vld.idx.msk [tilespmem:v10+s0+$0x0], $0xffff  }
0x1d5: {  	v14 =	vld [tilespmem:s20+$0x0]  }
0x1d6: {  	v11 =	vld [tilespmem:s7+$0x0]  }
.Ltmp4:
0x1d7: {  	v10 =	vld [tilespmem:s8+$0x0];
	(pc) =	sbr.rel @p0 .LBB2_8-.Ltmp4, $4  }
0x1d8: {  	v8 =	vld [tilespmem:s9+$0x0]  }
0x1d9: {  	v7 =	vld [tilespmem:s10+$0x0]  }
0x1da: {  	v5 =	vld [tilespmem:s11+$0x0]  }
0x1db: {  	s4 =	sadd.s32 $0xA0, s4;
	s3 =	sadd.s32 $0x140, s3;
	v13 =	vld [tilespmem:s12+$0x0]  }
0x1dc: {  	_ =	sdelay $0x1  }
0x1dd: {  	v16 =	vld [tilespmem:s6+$0x0]  }
0x1de: {  	v17 =	vld [tilespmem:s5+$0x0]  }
0x1df: {  	[tilespmem:v14+s2+$0x0] =	vst.idx.add.f32.msk $0xffff, v15  }
0x1e0: {  	[tilespmem:v11+s2+$0x0] =	vst.idx.add.f32.msk $0xffff, v12  }
0x1e1: {  	[tilespmem:v10+s2+$0x0] =	vst.idx.add.f32.msk $0xffff, v9  }
0x1e2: {  	[tilespmem:v8+s2+$0x0] =	vst.idx.add.f32.msk $0xffff, v6  }
0x1e3: {  	[tilespmem:v7+s2+$0x0] =	vst.idx.add.f32.msk $0xffff, v4  }
0x1e4: {  	[tilespmem:v5+s2+$0x0] =	vst.idx.add.f32.msk $0xffff, v3  }
0x1e5: {  	[tilespmem:v13+s2+$0x0] =	vst.idx.add.f32.msk $0xffff, v2  }
0x1e6: {  	[tilespmem:v16+s2+$0x0] =	vst.idx.add.f32.msk $0xffff, v1  }
0x1e7: {  	s0 =	simm.s32 $0x80;
	s1 =	simm.s32 $0x400;
	[tilespmem:v17+s2+$0x0] =	vst.idx.add.f32.msk $0xffff, v0  }
0x1e8: {  	s30 =	simm.s32 $0xC800;
	s31 =	simm.s32 $0x2;
	s3 =	rddreg [dreg:$0xc]  }
0x1e9: {  	[hbm4b:s3+s0] =	stream.strided.scatter [tilespmem:s30], [sflag:$0x2], $0x2800, s1, s0, $0x38;
	[tilespmem:$0x16D00] =	vst v63  }
0x1ea: {  	_ =	swait.ge [sflag:s31], $0x2800  }
0x1eb: {  	[sflag:s31] =	ssyncset.done $0x0  }
0x1ec: {  	[sflag:s31] =	ssyncadd.s32 $0xFFFFD800  }
0x1ed: {  	s5 =	rddreg [dreg:$0x4]  }
.LBB2_10:
0x1ee: {  	_ =	sfence.sel $0x180000  }
0x1ef: {  	[bflag:$0x0] =	sbarrier.arrive $0xFFFF  }
0x1f0: {  	p0 =	sne.s32 s23, $0x0;
	_ =	strace $0x90000047  }
0x1f1: {  	s0 =	sadd.s32 @!p0 $0x100000, s5;
	[bflag:$0x2] =	sbarrier.arrive $0xFFFF  }
0x1f2: {  	[sflag:s0] =	ssyncadd.tile.s32 @!p0 $0x1;
	_ =	shalt  }
.Lfunc_end2:
_tile_overlayer_lowered:
.L_overlay_start_2:
0x1f3: {  	(tag) =	ssettag $0x2  }
0x1f4: {  	s0 =	rddreg [dreg:$0x0];
	s2 =	stileid.u32  }
0x1f5: {  	s1 =	rddreg [dreg:$0x1];
	p0 =	sne.s32 s2, $0x0  }
0x1f6: {  	s3 =	rddreg [dreg:$0x2];
	[bflag:$0x3] =	sbarrier.arrive $0xFFFF;
	s2 =	simm.s32 @!p0 $0x1C02  }
0x1f7: {  	[timem:s3], [sflag:s2] =	dma.local @!p0 [hbm:s0], s1  }
0x1f8: {  	s0 =	simm.s32 @!p0 $0x2  }
0x1f9: {  	_ =	swait.ge @!p0 [sflag:s0], s1  }
0x1fa: {  	s1 =	ssub.s32 @!p0 $0x0, s1;
	[sflag:s0] =	ssyncset.done @!p0 $0x0  }
0x1fb: {  	[sflag:s0] =	ssyncadd.s32 @!p0 s1  }
0x1fc: {  	[bflag:$0x3] =	sbarrier.arrive $0xFFFF  }
0x1fd: {  	_ =	shalt  }

</sc_bundles>
